<compile_context>
chip_gen: v7x
topology: tpu7x:2x2x1
jax: 0.10.2.dev20260603
libtpu: 0.0.44.dev20260713+nightly
codegen_flags: <defaults>
</compile_context>

<pallas_src>
import functools

import jax
import jax.numpy as jnp
from jax import lax
from jax.experimental import pallas as pl
from jax.experimental.pallas import tpu as pltpu
from jax.experimental.pallas import tpu_sc as plsc

N = 1001
NPAD = 1024
B = 16384
NBUF = 6
NW = 16
BPW = B // NW
L = 16
CHUNK = NPAD // 16
NK = CHUNK // L
SLOTS = NBUF
TAIL = N - 15 * CHUNK


def _rsqrt(x):
    i = plsc.bitcast(x, jnp.int32)
    i = 0x5F3759DF - (i >> 1)
    y = plsc.bitcast(i, jnp.float32)
    for _ in range(3):
        y = y * (1.5 - 0.5 * x * y * y)
    return y


def _vscan_mul(x, scr, off, iota):
    for sh in (1, 2, 4, 8):
        scr[pl.ds(off, L)] = x
        shifted = plsc.load_gather(scr, [off + jnp.maximum(iota - sh, 0)])
        x = jnp.where(iota >= sh, x * shifted, x)
    return x


def _bcast_lane(x, k, scr, off, iota):
    scr[pl.ds(off, L)] = x
    return plsc.load_gather(scr, [jnp.full((L,), off, jnp.int32) + k])


@functools.cache
def _make_kernel():
    mesh = plsc.VectorSubcoreMesh(core_axis_name="c", subcore_axis_name="s", num_cores=1)

    @functools.partial(
        pl.kernel,
        out_type=jax.ShapeDtypeStruct((NBUF * B,), jnp.float32),
        mesh=mesh,
        compiler_params=pltpu.CompilerParams(
            needs_layout_passes=False, skip_device_barrier=True,
            disable_bounds_checks=True, disable_semaphore_checks=True),
        scratch_types=[
            pltpu.VMEM((CHUNK,), jnp.float32),
            pltpu.VMEM(((NK + 1) * L,), jnp.float32),
            pltpu.VMEM((16 * L,), jnp.float32),
            pltpu.VMEM((CHUNK * SLOTS,), jnp.float32),
            pltpu.VMEM((NPAD * SLOTS,), jnp.float32),
            pltpu.VMEM((BPW,), jnp.int32),
            pltpu.VMEM((NBUF, BPW), jnp.float32),
            pltpu.VMEM_SHARED((16 * L,), jnp.float32),
            pltpu.VMEM_SHARED((NPAD * SLOTS,), jnp.float32),
            pltpu.SemaphoreType.DMA,
            pltpu.SemaphoreType.DMA,
        ],
    )
    def _sched_kernel(betas_hbm, t_hbm, out_hbm,
                      bchunk, scr, pall, rowchunk,
                      table_v, t_v, out_v, shared_p, shared_tbl,
                      sem_t, sem_o):
        c = lax.axis_index("c")
        s = lax.axis_index("s")
        iota = lax.broadcasted_iota(jnp.int32, (L,), 0)
        wid = s + c * 0
        tbase = wid * BPW

        tcopy = pltpu.async_copy(t_hbm.at[pl.ds(tbase, BPW)], t_v, sem_t)

        base = s * CHUNK

        @pl.when(s < 15)
        def _():
            pltpu.sync_copy(betas_hbm.at[pl.ds(base, CHUNK)], bchunk)

        @pl.when(s == 15)
        def _():
            pltpu.sync_copy(betas_hbm.at[pl.ds(15 * CHUNK, TAIL)],
                            bchunk.at[pl.ds(0, TAIL)])

        b_vecs = []
        a_vecs = []
        loc = []
        for k in range(NK):
            g = base + (k * L) + iota
            raw = bchunk[pl.ds(k * L, L)]
            b_k = jnp.where(g <= N - 1, raw, 0.0)
            a_k = 1.0 - b_k
            b_vecs.append(b_k)
            a_vecs.append(a_k)
            loc.append(_vscan_mul(a_k, scr, k * L, iota))
        tots = [_bcast_lane(loc[k], L - 1, scr, k * L, iota)
                for k in range(NK)]
        a_scans = [loc[0]]
        carry = tots[0]
        for k in range(1, NK):
            a_scans.append(loc[k] * carry)
            carry = carry * tots[k]

        scr[pl.ds(NK * L, L)] = carry
        pltpu.sync_copy(scr.at[pl.ds(NK * L, L)],
                        shared_p.at[pl.ds(s * L, L)])
        sqb = [b_vecs[k] * _rsqrt(jnp.maximum(b_vecs[k], 1e-30))
               for k in range(NK)]
        ra = [_rsqrt(a_vecs[k]) for k in range(NK)]
        sqsl = [a_scans[k] * _rsqrt(a_scans[k]) for k in range(NK)]
        plsc.subcore_barrier()
        pltpu.sync_copy(shared_p, pall)
        pvals = plsc.load_gather(pall, [iota * L])
        pscan = _vscan_mul(pvals, scr, 0, iota)
        prev = _bcast_lane(pscan, jnp.maximum(s - 1, 0), scr, 0, iota)
        pre = jnp.where(jnp.full((L,), s, jnp.int32) == 0, 1.0, prev)
        sqpre = pre * _rsqrt(pre)

        for k in range(NK):
            ab_k = a_scans[k] * pre
            omab = 1.0 - ab_k
            romab = _rsqrt(jnp.maximum(omab, 1e-30))
            vals6 = (b_vecs[k], sqb[k], ab_k, sqsl[k] * sqpre, omab * romab,
                     ra[k])
            idx6 = (iota + k * L) * SLOTS
            for j, v in enumerate(vals6):
                plsc.store_scatter(rowchunk, [idx6 + j], v)
        pltpu.sync_copy(rowchunk,
                        shared_tbl.at[pl.ds(base * SLOTS, CHUNK * SLOTS)])
        plsc.subcore_barrier()

        pltpu.sync_copy(shared_tbl, table_v)
        tcopy.wait()

        @plsc.parallel_loop(0, BPW // L, unroll=4)
        def _gather_body(i):
            t6 = t_v[pl.ds(i * L, L)] * SLOTS
            for j in range(NBUF):
                vals = plsc.load_gather(table_v, [t6 + j])
                out_v[j, pl.ds(i * L, L)] = vals
        copies = [
            pltpu.async_copy(out_v.at[j],
                             out_hbm.at[pl.ds(j * B + tbase, BPW)],
                             sem_o)
            for j in range(NBUF)
        ]
        for cp in copies:
            cp.wait()

    return _sched_kernel


def kernel(betas, t):
    out = _make_kernel()(betas, t.astype(jnp.int32))
    return out.reshape(NBUF, B, 1, 1, 1)

# --- scband reference (transcript-rebuilt; emitter-appended) ---
"""Pipeline reference for scband-beta-scheduler-1099511628243 (READ-ONLY COPY).

The authoritative reference and input builder live on the scoring server;
editing this copy changes nothing except your own understanding.
"""

import jax, jax.numpy as jnp
import numpy as np

TIMESTEPS = 1000
BATCH = 16384

def setup_inputs(seed: int = 0) -> dict:
    key = jax.random.key(seed)
    k1, k2 = jax.random.split(key)
    # betas in a realistic small range (0, ~0.02], as in DDPM linear schedules
    betas = jax.random.uniform(k1, (TIMESTEPS + 1,), dtype=jnp.float32) * 0.02 + 1e-5
    t = jax.random.randint(k2, (BATCH,), 0, TIMESTEPS + 1, dtype=jnp.int64)
    return {"betas": betas, "t": t}

def reference(betas, t):
    # init_scheduler: derive all schedule buffers
    alphas = 1.0 - betas
    alphas_bar = jnp.cumprod(alphas, axis=0)
    sqrt_alphas_bar = jnp.sqrt(alphas_bar)
    sqrt_one_minus_alphas_bar = jnp.sqrt(1.0 - alphas_bar)
    sqrt_recip_alphas = jnp.sqrt(1.0 / alphas)
    sigmas = jnp.sqrt(betas)
    # getter gathers, each reshaped to (-1, 1, 1, 1)
    def g(buf):
        return jnp.take(buf, t, axis=0).reshape(-1, 1, 1, 1)
    beta_t = g(betas)
    sigma_t = g(sigmas)
    alpha_bar_t = g(alphas_bar)
    sqrt_alpha_bar_t = g(sqrt_alphas_bar)
    sqrt_one_minus_alpha_bar_t = g(sqrt_one_minus_alphas_bar)
    sqrt_recip_alpha_t = g(sqrt_recip_alphas)
    # stack the six gathered schedule quantities: [6, B, 1, 1, 1]
    return jnp.stack([beta_t, sigma_t, alpha_bar_t, sqrt_alpha_bar_t,
                      sqrt_one_minus_alpha_bar_t, sqrt_recip_alpha_t], axis=0)

if __name__ == "__main__":
    import jax
    _d = setup_inputs()
    print(jax.jit(kernel)(*tuple(_d.values())))

</pallas_src>

<mosaic_0001>
#map = affine_map<(d0, d1) -> (0)>
module attributes {stable_mosaic.version = 14 : i64} {
  func.func @_sched_kernel(%arg0: i32, %arg1: i32, %arg2: memref<1001xf32, #tpu.memory_space<hbm>>, %arg3: memref<16384xi32, #tpu.memory_space<hbm>>, %arg4: memref<98304xf32, #tpu.memory_space<hbm>>, %arg5: memref<64xf32, #tpu.memory_space<vmem>>, %arg6: memref<80xf32, #tpu.memory_space<vmem>>, %arg7: memref<256xf32, #tpu.memory_space<vmem>>, %arg8: memref<384xf32, #tpu.memory_space<vmem>>, %arg9: memref<6144xf32, #tpu.memory_space<vmem>>, %arg10: memref<1024xi32, #tpu.memory_space<vmem>>, %arg11: memref<6x1024xf32, #tpu.memory_space<vmem>>, %arg12: memref<256xf32, #tpu.memory_space<vmem_shared>>, %arg13: memref<6144xf32, #tpu.memory_space<vmem_shared>>, %arg14: memref<!tpu.dma_semaphore, #tpu.memory_space<semaphore_mem>>, %arg15: memref<!tpu.dma_semaphore, #tpu.memory_space<semaphore_mem>>) attributes {dimension_semantics = [#tpu.dimension_semantics<core_parallel>, #tpu.dimension_semantics<subcore_parallel>], iteration_bounds = array<i64: 1, 16>, scalar_prefetch = 0 : i64, scratch_operands = 11 : i64, tpu.core_type = #tpu.core_type<sc_vector_subcore>, window_params = [{transform_indices = #map}, {transform_indices = #map}, {transform_indices = #map}]} {
    %iota3A = tpu.iota {dimensions = array<i32: 0>} : vector<16xi32>
    %mul3A = arith.constant 0 : i32
    %mul3A_0 = arith.muli %arg0, %mul3A : i32
    %add3A = arith.addi %arg1, %mul3A_0 : i32
    %mul3A_1 = arith.constant 1024 : i32
    %mul3A_2 = arith.muli %add3A, %mul3A_1 : i32
    %dma_start3A = tpu.memref_slice %arg3[%mul3A_2] : memref<16384xi32, #tpu.memory_space<hbm>> -> memref<1024xi32, #tpu.memory_space<hbm>>
    %dma_start3A_3 = tpu.memref_slice %arg3[%mul3A_2] : memref<16384xi32, #tpu.memory_space<hbm>> -> memref<1024xi32, #tpu.memory_space<hbm>>
    tpu.enqueue_dma source(%dma_start3A_3 : memref<1024xi32, #tpu.memory_space<hbm>>) target(%arg10 : memref<1024xi32, #tpu.memory_space<vmem>>) target_semaphore(%arg14 : memref<!tpu.dma_semaphore, #tpu.memory_space<semaphore_mem>>)
    %mul3A_4 = arith.constant 64 : i32
    %mul3A_5 = arith.muli %arg1, %mul3A_4 : i32
    %lt3A = arith.constant 15 : i32
    %lt3A_6 = arith.cmpi slt, %arg1, %lt3A : i32
    %convert_element_type3A = arith.extui %lt3A_6 : i1 to i32
    %cond3A = arith.constant 0 : i32
    %cond3A_7 = arith.cmpi ne, %convert_element_type3A, %cond3A : i32
    scf.if %cond3A_7 {
      "tpu.region"() ({
        %run_scoped3A = tpu.sem_alloc : memref<!tpu.dma_semaphore, #tpu.memory_space<semaphore_mem>>
        %dma_start3A_1338 = tpu.memref_slice %arg2[%mul3A_5] : memref<1001xf32, #tpu.memory_space<hbm>> -> memref<64xf32, #tpu.memory_space<hbm>>
        %dma_start3A_1339 = tpu.memref_slice %arg2[%mul3A_5] : memref<1001xf32, #tpu.memory_space<hbm>> -> memref<64xf32, #tpu.memory_space<hbm>>
        tpu.enqueue_dma source(%dma_start3A_1339 : memref<64xf32, #tpu.memory_space<hbm>>) target(%arg5 : memref<64xf32, #tpu.memory_space<vmem>>) target_semaphore(%run_scoped3A : memref<!tpu.dma_semaphore, #tpu.memory_space<semaphore_mem>>)
        %dma_wait3A_1340 = tpu.memref_slice %arg2[%mul3A_5] : memref<1001xf32, #tpu.memory_space<hbm>> -> memref<64xf32, #tpu.memory_space<hbm>>
        %dma_wait3A_1341 = tpu.memref_slice %arg2[%mul3A_5] : memref<1001xf32, #tpu.memory_space<hbm>> -> memref<64xf32, #tpu.memory_space<hbm>>
        tpu.wait_dma2 semaphore(%run_scoped3A : memref<!tpu.dma_semaphore, #tpu.memory_space<semaphore_mem>>) src(%dma_wait3A_1341 : memref<64xf32, #tpu.memory_space<hbm>>) dst(%arg5 : memref<64xf32, #tpu.memory_space<vmem>>)
        tpu.yield
      }) : () -> ()
    } else {
    }
    %eq3A = arith.constant 15 : i32
    %eq3A_8 = arith.cmpi eq, %arg1, %eq3A : i32
    %convert_element_type3A_9 = arith.extui %eq3A_8 : i1 to i32
    %cond3A_10 = arith.constant 0 : i32
    %cond3A_11 = arith.cmpi ne, %convert_element_type3A_9, %cond3A_10 : i32
    scf.if %cond3A_11 {
      "tpu.region"() ({
        %run_scoped3A = tpu.sem_alloc : memref<!tpu.dma_semaphore, #tpu.memory_space<semaphore_mem>>
        %dma_start3A_1338 = arith.constant 0 : i32
        %dma_start3A_1339 = tpu.memref_slice %arg5[%dma_start3A_1338] : memref<64xf32, #tpu.memory_space<vmem>> -> memref<41xf32, #tpu.memory_space<vmem>>
        %dma_start3A_1340 = arith.constant 960 : i32
        %dma_start3A_1341 = tpu.memref_slice %arg2[%dma_start3A_1340] : memref<1001xf32, #tpu.memory_space<hbm>> -> memref<41xf32, #tpu.memory_space<hbm>>
        %dma_start3A_1342 = arith.constant 0 : i32
        %dma_start3A_1343 = tpu.memref_slice %arg5[%dma_start3A_1342] : memref<64xf32, #tpu.memory_space<vmem>> -> memref<41xf32, #tpu.memory_space<vmem>>
        %dma_start3A_1344 = arith.constant 960 : i32
        %dma_start3A_1345 = tpu.memref_slice %arg2[%dma_start3A_1344] : memref<1001xf32, #tpu.memory_space<hbm>> -> memref<41xf32, #tpu.memory_space<hbm>>
        tpu.enqueue_dma source(%dma_start3A_1345 : memref<41xf32, #tpu.memory_space<hbm>>) target(%dma_start3A_1343 : memref<41xf32, #tpu.memory_space<vmem>>) target_semaphore(%run_scoped3A : memref<!tpu.dma_semaphore, #tpu.memory_space<semaphore_mem>>)
        %dma_wait3A_1346 = arith.constant 0 : i32
        %dma_wait3A_1347 = tpu.memref_slice %arg5[%dma_wait3A_1346] : memref<64xf32, #tpu.memory_space<vmem>> -> memref<41xf32, #tpu.memory_space<vmem>>
        %dma_wait3A_1348 = arith.constant 960 : i32
        %dma_wait3A_1349 = tpu.memref_slice %arg2[%dma_wait3A_1348] : memref<1001xf32, #tpu.memory_space<hbm>> -> memref<41xf32, #tpu.memory_space<hbm>>
        %dma_wait3A_1350 = arith.constant 0 : i32
        %dma_wait3A_1351 = tpu.memref_slice %arg5[%dma_wait3A_1350] : memref<64xf32, #tpu.memory_space<vmem>> -> memref<41xf32, #tpu.memory_space<vmem>>
        %dma_wait3A_1352 = arith.constant 960 : i32
        %dma_wait3A_1353 = tpu.memref_slice %arg2[%dma_wait3A_1352] : memref<1001xf32, #tpu.memory_space<hbm>> -> memref<41xf32, #tpu.memory_space<hbm>>
        tpu.wait_dma2 semaphore(%run_scoped3A : memref<!tpu.dma_semaphore, #tpu.memory_space<semaphore_mem>>) src(%dma_wait3A_1353 : memref<41xf32, #tpu.memory_space<hbm>>) dst(%dma_wait3A_1351 : memref<41xf32, #tpu.memory_space<vmem>>)
        tpu.yield
      }) : () -> ()
    } else {
    }
    %add3A_12 = arith.constant 0 : i32
    %add3A_13 = arith.addi %mul3A_5, %add3A_12 : i32
    %add3A_14 = vector.broadcast %add3A_13 : i32 to vector<16xi32>
    %add3A_15 = arith.addi %add3A_14, %iota3A : vector<16xi32>
    %get3A = arith.constant 0 : index
    %get3A_16 = tpu.vector_load %arg5[%get3A] {strides = array<i32>} : memref<64xf32, #tpu.memory_space<vmem>>, vector<16xf32>,
    %le3A = arith.constant 1000 : i32
    %le3A_17 = vector.broadcast %le3A : i32 to vector<16xi32>
    %le3A_18 = arith.cmpi sle, %add3A_15, %le3A_17 : vector<16xi32>
    %jit3A = arith.constant 0.000000e+00 : f32
    %broadcast_in_dim3A = vector.broadcast %jit3A : f32 to vector<16xf32>
    %select_n3A = arith.select %le3A_18, %get3A_16, %broadcast_in_dim3A : vector<16xi1>, vector<16xf32>
    %sub3A = arith.constant 1.000000e+00 : f32
    %sub3A_19 = vector.broadcast %sub3A : f32 to vector<16xf32>
    %sub3A_20 = arith.subf %sub3A_19, %select_n3A : vector<16xf32>
    %swap3A = arith.constant 0 : index
    %swap3A_21 = tpu.vector_load %arg6[%swap3A] {strides = array<i32>} : memref<80xf32, #tpu.memory_space<vmem>>, vector<16xf32>,
    tpu.vector_store %arg6[%swap3A], %sub3A_20 {strides = array<i32>} : memref<80xf32, #tpu.memory_space<vmem>>, vector<16xf32>,
    %sub3A_22 = arith.constant 1 : i32
    %sub3A_23 = vector.broadcast %sub3A_22 : i32 to vector<16xi32>
    %sub3A_24 = arith.subi %iota3A, %sub3A_23 : vector<16xi32>
    %max3A = arith.constant 0 : i32
    %max3A_25 = vector.broadcast %max3A : i32 to vector<16xi32>
    %max3A_26 = arith.maxsi %sub3A_24, %max3A_25 : vector<16xi32>
    %add3A_27 = arith.constant 0 : i32
    %add3A_28 = vector.broadcast %add3A_27 : i32 to vector<16xi32>
    %add3A_29 = arith.addi %add3A_28, %max3A_26 : vector<16xi32>
    %gather3A = tpu.vector_load_idx %arg6[%add3A_29] : memref<80xf32, #tpu.memory_space<vmem>>[vector<16xi32>], vector<16xf32>,
    %ge3A = arith.constant 1 : i32
    %ge3A_30 = vector.broadcast %ge3A : i32 to vector<16xi32>
    %ge3A_31 = arith.cmpi sge, %iota3A, %ge3A_30 : vector<16xi32>
    %mul3A_32 = arith.mulf %sub3A_20, %gather3A : vector<16xf32>
    %select_n3A_33 = arith.select %ge3A_31, %mul3A_32, %sub3A_20 : vector<16xi1>, vector<16xf32>
    %swap3A_34 = arith.constant 0 : index
    %swap3A_35 = tpu.vector_load %arg6[%swap3A_34] {strides = array<i32>} : memref<80xf32, #tpu.memory_space<vmem>>, vector<16xf32>,
    tpu.vector_store %arg6[%swap3A_34], %select_n3A_33 {strides = array<i32>} : memref<80xf32, #tpu.memory_space<vmem>>, vector<16xf32>,
    %sub3A_36 = arith.constant 2 : i32
    %sub3A_37 = vector.broadcast %sub3A_36 : i32 to vector<16xi32>
    %sub3A_38 = arith.subi %iota3A, %sub3A_37 : vector<16xi32>
    %max3A_39 = arith.constant 0 : i32
    %max3A_40 = vector.broadcast %max3A_39 : i32 to vector<16xi32>
    %max3A_41 = arith.maxsi %sub3A_38, %max3A_40 : vector<16xi32>
    %add3A_42 = arith.constant 0 : i32
    %add3A_43 = vector.broadcast %add3A_42 : i32 to vector<16xi32>
    %add3A_44 = arith.addi %add3A_43, %max3A_41 : vector<16xi32>
    %gather3A_45 = tpu.vector_load_idx %arg6[%add3A_44] : memref<80xf32, #tpu.memory_space<vmem>>[vector<16xi32>], vector<16xf32>,
    %ge3A_46 = arith.constant 2 : i32
    %ge3A_47 = vector.broadcast %ge3A_46 : i32 to vector<16xi32>
    %ge3A_48 = arith.cmpi sge, %iota3A, %ge3A_47 : vector<16xi32>
    %mul3A_49 = arith.mulf %select_n3A_33, %gather3A_45 : vector<16xf32>
    %select_n3A_50 = arith.select %ge3A_48, %mul3A_49, %select_n3A_33 : vector<16xi1>, vector<16xf32>
    %swap3A_51 = arith.constant 0 : index
    %swap3A_52 = tpu.vector_load %arg6[%swap3A_51] {strides = array<i32>} : memref<80xf32, #tpu.memory_space<vmem>>, vector<16xf32>,
    tpu.vector_store %arg6[%swap3A_51], %select_n3A_50 {strides = array<i32>} : memref<80xf32, #tpu.memory_space<vmem>>, vector<16xf32>,
    %sub3A_53 = arith.constant 4 : i32
    %sub3A_54 = vector.broadcast %sub3A_53 : i32 to vector<16xi32>
    %sub3A_55 = arith.subi %iota3A, %sub3A_54 : vector<16xi32>
    %max3A_56 = arith.constant 0 : i32
    %max3A_57 = vector.broadcast %max3A_56 : i32 to vector<16xi32>
    %max3A_58 = arith.maxsi %sub3A_55, %max3A_57 : vector<16xi32>
    %add3A_59 = arith.constant 0 : i32
    %add3A_60 = vector.broadcast %add3A_59 : i32 to vector<16xi32>
    %add3A_61 = arith.addi %add3A_60, %max3A_58 : vector<16xi32>
    %gather3A_62 = tpu.vector_load_idx %arg6[%add3A_61] : memref<80xf32, #tpu.memory_space<vmem>>[vector<16xi32>], vector<16xf32>,
    %ge3A_63 = arith.constant 4 : i32
    %ge3A_64 = vector.broadcast %ge3A_63 : i32 to vector<16xi32>
    %ge3A_65 = arith.cmpi sge, %iota3A, %ge3A_64 : vector<16xi32>
    %mul3A_66 = arith.mulf %select_n3A_50, %gather3A_62 : vector<16xf32>
    %select_n3A_67 = arith.select %ge3A_65, %mul3A_66, %select_n3A_50 : vector<16xi1>, vector<16xf32>
    %swap3A_68 = arith.constant 0 : index
    %swap3A_69 = tpu.vector_load %arg6[%swap3A_68] {strides = array<i32>} : memref<80xf32, #tpu.memory_space<vmem>>, vector<16xf32>,
    tpu.vector_store %arg6[%swap3A_68], %select_n3A_67 {strides = array<i32>} : memref<80xf32, #tpu.memory_space<vmem>>, vector<16xf32>,
    %sub3A_70 = arith.constant 8 : i32
    %sub3A_71 = vector.broadcast %sub3A_70 : i32 to vector<16xi32>
    %sub3A_72 = arith.subi %iota3A, %sub3A_71 : vector<16xi32>
    %max3A_73 = arith.constant 0 : i32
    %max3A_74 = vector.broadcast %max3A_73 : i32 to vector<16xi32>
    %max3A_75 = arith.maxsi %sub3A_72, %max3A_74 : vector<16xi32>
    %add3A_76 = arith.constant 0 : i32
    %add3A_77 = vector.broadcast %add3A_76 : i32 to vector<16xi32>
    %add3A_78 = arith.addi %add3A_77, %max3A_75 : vector<16xi32>
    %gather3A_79 = tpu.vector_load_idx %arg6[%add3A_78] : memref<80xf32, #tpu.memory_space<vmem>>[vector<16xi32>], vector<16xf32>,
    %ge3A_80 = arith.constant 8 : i32
    %ge3A_81 = vector.broadcast %ge3A_80 : i32 to vector<16xi32>
    %ge3A_82 = arith.cmpi sge, %iota3A, %ge3A_81 : vector<16xi32>
    %mul3A_83 = arith.mulf %select_n3A_67, %gather3A_79 : vector<16xf32>
    %select_n3A_84 = arith.select %ge3A_82, %mul3A_83, %select_n3A_67 : vector<16xi1>, vector<16xf32>
    %add3A_85 = arith.constant 16 : i32
    %add3A_86 = arith.addi %mul3A_5, %add3A_85 : i32
    %add3A_87 = vector.broadcast %add3A_86 : i32 to vector<16xi32>
    %add3A_88 = arith.addi %add3A_87, %iota3A : vector<16xi32>
    %get3A_89 = arith.constant 16 : index
    %get3A_90 = tpu.vector_load %arg5[%get3A_89] {strides = array<i32>} : memref<64xf32, #tpu.memory_space<vmem>>, vector<16xf32>,
    %le3A_91 = arith.constant 1000 : i32
    %le3A_92 = vector.broadcast %le3A_91 : i32 to vector<16xi32>
    %le3A_93 = arith.cmpi sle, %add3A_88, %le3A_92 : vector<16xi32>
    %jit3A_94 = arith.constant 0.000000e+00 : f32
    %broadcast_in_dim3A_95 = vector.broadcast %jit3A_94 : f32 to vector<16xf32>
    %select_n3A_96 = arith.select %le3A_93, %get3A_90, %broadcast_in_dim3A_95 : vector<16xi1>, vector<16xf32>
    %sub3A_97 = arith.constant 1.000000e+00 : f32
    %sub3A_98 = vector.broadcast %sub3A_97 : f32 to vector<16xf32>
    %sub3A_99 = arith.subf %sub3A_98, %select_n3A_96 : vector<16xf32>
    %swap3A_100 = arith.constant 16 : index
    %swap3A_101 = tpu.vector_load %arg6[%swap3A_100] {strides = array<i32>} : memref<80xf32, #tpu.memory_space<vmem>>, vector<16xf32>,
    tpu.vector_store %arg6[%swap3A_100], %sub3A_99 {strides = array<i32>} : memref<80xf32, #tpu.memory_space<vmem>>, vector<16xf32>,
    %sub3A_102 = arith.constant 1 : i32
    %sub3A_103 = vector.broadcast %sub3A_102 : i32 to vector<16xi32>
    %sub3A_104 = arith.subi %iota3A, %sub3A_103 : vector<16xi32>
    %max3A_105 = arith.constant 0 : i32
    %max3A_106 = vector.broadcast %max3A_105 : i32 to vector<16xi32>
    %max3A_107 = arith.maxsi %sub3A_104, %max3A_106 : vector<16xi32>
    %add3A_108 = arith.constant 16 : i32
    %add3A_109 = vector.broadcast %add3A_108 : i32 to vector<16xi32>
    %add3A_110 = arith.addi %add3A_109, %max3A_107 : vector<16xi32>
    %gather3A_111 = tpu.vector_load_idx %arg6[%add3A_110] : memref<80xf32, #tpu.memory_space<vmem>>[vector<16xi32>], vector<16xf32>,
    %ge3A_112 = arith.constant 1 : i32
    %ge3A_113 = vector.broadcast %ge3A_112 : i32 to vector<16xi32>
    %ge3A_114 = arith.cmpi sge, %iota3A, %ge3A_113 : vector<16xi32>
    %mul3A_115 = arith.mulf %sub3A_99, %gather3A_111 : vector<16xf32>
    %select_n3A_116 = arith.select %ge3A_114, %mul3A_115, %sub3A_99 : vector<16xi1>, vector<16xf32>
    %swap3A_117 = arith.constant 16 : index
    %swap3A_118 = tpu.vector_load %arg6[%swap3A_117] {strides = array<i32>} : memref<80xf32, #tpu.memory_space<vmem>>, vector<16xf32>,
    tpu.vector_store %arg6[%swap3A_117], %select_n3A_116 {strides = array<i32>} : memref<80xf32, #tpu.memory_space<vmem>>, vector<16xf32>,
    %sub3A_119 = arith.constant 2 : i32
    %sub3A_120 = vector.broadcast %sub3A_119 : i32 to vector<16xi32>
    %sub3A_121 = arith.subi %iota3A, %sub3A_120 : vector<16xi32>
    %max3A_122 = arith.constant 0 : i32
    %max3A_123 = vector.broadcast %max3A_122 : i32 to vector<16xi32>
    %max3A_124 = arith.maxsi %sub3A_121, %max3A_123 : vector<16xi32>
    %add3A_125 = arith.constant 16 : i32
    %add3A_126 = vector.broadcast %add3A_125 : i32 to vector<16xi32>
    %add3A_127 = arith.addi %add3A_126, %max3A_124 : vector<16xi32>
    %gather3A_128 = tpu.vector_load_idx %arg6[%add3A_127] : memref<80xf32, #tpu.memory_space<vmem>>[vector<16xi32>], vector<16xf32>,
    %ge3A_129 = arith.constant 2 : i32
    %ge3A_130 = vector.broadcast %ge3A_129 : i32 to vector<16xi32>
    %ge3A_131 = arith.cmpi sge, %iota3A, %ge3A_130 : vector<16xi32>
    %mul3A_132 = arith.mulf %select_n3A_116, %gather3A_128 : vector<16xf32>
    %select_n3A_133 = arith.select %ge3A_131, %mul3A_132, %select_n3A_116 : vector<16xi1>, vector<16xf32>
    %swap3A_134 = arith.constant 16 : index
    %swap3A_135 = tpu.vector_load %arg6[%swap3A_134] {strides = array<i32>} : memref<80xf32, #tpu.memory_space<vmem>>, vector<16xf32>,
    tpu.vector_store %arg6[%swap3A_134], %select_n3A_133 {strides = array<i32>} : memref<80xf32, #tpu.memory_space<vmem>>, vector<16xf32>,
    %sub3A_136 = arith.constant 4 : i32
    %sub3A_137 = vector.broadcast %sub3A_136 : i32 to vector<16xi32>
    %sub3A_138 = arith.subi %iota3A, %sub3A_137 : vector<16xi32>
    %max3A_139 = arith.constant 0 : i32
    %max3A_140 = vector.broadcast %max3A_139 : i32 to vector<16xi32>
    %max3A_141 = arith.maxsi %sub3A_138, %max3A_140 : vector<16xi32>
    %add3A_142 = arith.constant 16 : i32
    %add3A_143 = vector.broadcast %add3A_142 : i32 to vector<16xi32>
    %add3A_144 = arith.addi %add3A_143, %max3A_141 : vector<16xi32>
    %gather3A_145 = tpu.vector_load_idx %arg6[%add3A_144] : memref<80xf32, #tpu.memory_space<vmem>>[vector<16xi32>], vector<16xf32>,
    %ge3A_146 = arith.constant 4 : i32
    %ge3A_147 = vector.broadcast %ge3A_146 : i32 to vector<16xi32>
    %ge3A_148 = arith.cmpi sge, %iota3A, %ge3A_147 : vector<16xi32>
    %mul3A_149 = arith.mulf %select_n3A_133, %gather3A_145 : vector<16xf32>
    %select_n3A_150 = arith.select %ge3A_148, %mul3A_149, %select_n3A_133 : vector<16xi1>, vector<16xf32>
    %swap3A_151 = arith.constant 16 : index
    %swap3A_152 = tpu.vector_load %arg6[%swap3A_151] {strides = array<i32>} : memref<80xf32, #tpu.memory_space<vmem>>, vector<16xf32>,
    tpu.vector_store %arg6[%swap3A_151], %select_n3A_150 {strides = array<i32>} : memref<80xf32, #tpu.memory_space<vmem>>, vector<16xf32>,
    %sub3A_153 = arith.constant 8 : i32
    %sub3A_154 = vector.broadcast %sub3A_153 : i32 to vector<16xi32>
    %sub3A_155 = arith.subi %iota3A, %sub3A_154 : vector<16xi32>
    %max3A_156 = arith.constant 0 : i32
    %max3A_157 = vector.broadcast %max3A_156 : i32 to vector<16xi32>
    %max3A_158 = arith.maxsi %sub3A_155, %max3A_157 : vector<16xi32>
    %add3A_159 = arith.constant 16 : i32
    %add3A_160 = vector.broadcast %add3A_159 : i32 to vector<16xi32>
    %add3A_161 = arith.addi %add3A_160, %max3A_158 : vector<16xi32>
    %gather3A_162 = tpu.vector_load_idx %arg6[%add3A_161] : memref<80xf32, #tpu.memory_space<vmem>>[vector<16xi32>], vector<16xf32>,
    %ge3A_163 = arith.constant 8 : i32
    %ge3A_164 = vector.broadcast %ge3A_163 : i32 to vector<16xi32>
    %ge3A_165 = arith.cmpi sge, %iota3A, %ge3A_164 : vector<16xi32>
    %mul3A_166 = arith.mulf %select_n3A_150, %gather3A_162 : vector<16xf32>
    %select_n3A_167 = arith.select %ge3A_165, %mul3A_166, %select_n3A_150 : vector<16xi1>, vector<16xf32>
    %add3A_168 = arith.constant 32 : i32
    %add3A_169 = arith.addi %mul3A_5, %add3A_168 : i32
    %add3A_170 = vector.broadcast %add3A_169 : i32 to vector<16xi32>
    %add3A_171 = arith.addi %add3A_170, %iota3A : vector<16xi32>
    %get3A_172 = arith.constant 32 : index
    %get3A_173 = tpu.vector_load %arg5[%get3A_172] {strides = array<i32>} : memref<64xf32, #tpu.memory_space<vmem>>, vector<16xf32>,
    %le3A_174 = arith.constant 1000 : i32
    %le3A_175 = vector.broadcast %le3A_174 : i32 to vector<16xi32>
    %le3A_176 = arith.cmpi sle, %add3A_171, %le3A_175 : vector<16xi32>
    %jit3A_177 = arith.constant 0.000000e+00 : f32
    %broadcast_in_dim3A_178 = vector.broadcast %jit3A_177 : f32 to vector<16xf32>
    %select_n3A_179 = arith.select %le3A_176, %get3A_173, %broadcast_in_dim3A_178 : vector<16xi1>, vector<16xf32>
    %sub3A_180 = arith.constant 1.000000e+00 : f32
    %sub3A_181 = vector.broadcast %sub3A_180 : f32 to vector<16xf32>
    %sub3A_182 = arith.subf %sub3A_181, %select_n3A_179 : vector<16xf32>
    %swap3A_183 = arith.constant 32 : index
    %swap3A_184 = tpu.vector_load %arg6[%swap3A_183] {strides = array<i32>} : memref<80xf32, #tpu.memory_space<vmem>>, vector<16xf32>,
    tpu.vector_store %arg6[%swap3A_183], %sub3A_182 {strides = array<i32>} : memref<80xf32, #tpu.memory_space<vmem>>, vector<16xf32>,
    %sub3A_185 = arith.constant 1 : i32
    %sub3A_186 = vector.broadcast %sub3A_185 : i32 to vector<16xi32>
    %sub3A_187 = arith.subi %iota3A, %sub3A_186 : vector<16xi32>
    %max3A_188 = arith.constant 0 : i32
    %max3A_189 = vector.broadcast %max3A_188 : i32 to vector<16xi32>
    %max3A_190 = arith.maxsi %sub3A_187, %max3A_189 : vector<16xi32>
    %add3A_191 = arith.constant 32 : i32
    %add3A_192 = vector.broadcast %add3A_191 : i32 to vector<16xi32>
    %add3A_193 = arith.addi %add3A_192, %max3A_190 : vector<16xi32>
    %gather3A_194 = tpu.vector_load_idx %arg6[%add3A_193] : memref<80xf32, #tpu.memory_space<vmem>>[vector<16xi32>], vector<16xf32>,
    %ge3A_195 = arith.constant 1 : i32
    %ge3A_196 = vector.broadcast %ge3A_195 : i32 to vector<16xi32>
    %ge3A_197 = arith.cmpi sge, %iota3A, %ge3A_196 : vector<16xi32>
    %mul3A_198 = arith.mulf %sub3A_182, %gather3A_194 : vector<16xf32>
    %select_n3A_199 = arith.select %ge3A_197, %mul3A_198, %sub3A_182 : vector<16xi1>, vector<16xf32>
    %swap3A_200 = arith.constant 32 : index
    %swap3A_201 = tpu.vector_load %arg6[%swap3A_200] {strides = array<i32>} : memref<80xf32, #tpu.memory_space<vmem>>, vector<16xf32>,
    tpu.vector_store %arg6[%swap3A_200], %select_n3A_199 {strides = array<i32>} : memref<80xf32, #tpu.memory_space<vmem>>, vector<16xf32>,
    %sub3A_202 = arith.constant 2 : i32
    %sub3A_203 = vector.broadcast %sub3A_202 : i32 to vector<16xi32>
    %sub3A_204 = arith.subi %iota3A, %sub3A_203 : vector<16xi32>
    %max3A_205 = arith.constant 0 : i32
    %max3A_206 = vector.broadcast %max3A_205 : i32 to vector<16xi32>
    %max3A_207 = arith.maxsi %sub3A_204, %max3A_206 : vector<16xi32>
    %add3A_208 = arith.constant 32 : i32
    %add3A_209 = vector.broadcast %add3A_208 : i32 to vector<16xi32>
    %add3A_210 = arith.addi %add3A_209, %max3A_207 : vector<16xi32>
    %gather3A_211 = tpu.vector_load_idx %arg6[%add3A_210] : memref<80xf32, #tpu.memory_space<vmem>>[vector<16xi32>], vector<16xf32>,
    %ge3A_212 = arith.constant 2 : i32
    %ge3A_213 = vector.broadcast %ge3A_212 : i32 to vector<16xi32>
    %ge3A_214 = arith.cmpi sge, %iota3A, %ge3A_213 : vector<16xi32>
    %mul3A_215 = arith.mulf %select_n3A_199, %gather3A_211 : vector<16xf32>
    %select_n3A_216 = arith.select %ge3A_214, %mul3A_215, %select_n3A_199 : vector<16xi1>, vector<16xf32>
    %swap3A_217 = arith.constant 32 : index
    %swap3A_218 = tpu.vector_load %arg6[%swap3A_217] {strides = array<i32>} : memref<80xf32, #tpu.memory_space<vmem>>, vector<16xf32>,
    tpu.vector_store %arg6[%swap3A_217], %select_n3A_216 {strides = array<i32>} : memref<80xf32, #tpu.memory_space<vmem>>, vector<16xf32>,
    %sub3A_219 = arith.constant 4 : i32
    %sub3A_220 = vector.broadcast %sub3A_219 : i32 to vector<16xi32>
    %sub3A_221 = arith.subi %iota3A, %sub3A_220 : vector<16xi32>
    %max3A_222 = arith.constant 0 : i32
    %max3A_223 = vector.broadcast %max3A_222 : i32 to vector<16xi32>
    %max3A_224 = arith.maxsi %sub3A_221, %max3A_223 : vector<16xi32>
    %add3A_225 = arith.constant 32 : i32
    %add3A_226 = vector.broadcast %add3A_225 : i32 to vector<16xi32>
    %add3A_227 = arith.addi %add3A_226, %max3A_224 : vector<16xi32>
    %gather3A_228 = tpu.vector_load_idx %arg6[%add3A_227] : memref<80xf32, #tpu.memory_space<vmem>>[vector<16xi32>], vector<16xf32>,
    %ge3A_229 = arith.constant 4 : i32
    %ge3A_230 = vector.broadcast %ge3A_229 : i32 to vector<16xi32>
    %ge3A_231 = arith.cmpi sge, %iota3A, %ge3A_230 : vector<16xi32>
    %mul3A_232 = arith.mulf %select_n3A_216, %gather3A_228 : vector<16xf32>
    %select_n3A_233 = arith.select %ge3A_231, %mul3A_232, %select_n3A_216 : vector<16xi1>, vector<16xf32>
    %swap3A_234 = arith.constant 32 : index
    %swap3A_235 = tpu.vector_load %arg6[%swap3A_234] {strides = array<i32>} : memref<80xf32, #tpu.memory_space<vmem>>, vector<16xf32>,
    tpu.vector_store %arg6[%swap3A_234], %select_n3A_233 {strides = array<i32>} : memref<80xf32, #tpu.memory_space<vmem>>, vector<16xf32>,
    %sub3A_236 = arith.constant 8 : i32
    %sub3A_237 = vector.broadcast %sub3A_236 : i32 to vector<16xi32>
    %sub3A_238 = arith.subi %iota3A, %sub3A_237 : vector<16xi32>
    %max3A_239 = arith.constant 0 : i32
    %max3A_240 = vector.broadcast %max3A_239 : i32 to vector<16xi32>
    %max3A_241 = arith.maxsi %sub3A_238, %max3A_240 : vector<16xi32>
    %add3A_242 = arith.constant 32 : i32
    %add3A_243 = vector.broadcast %add3A_242 : i32 to vector<16xi32>
    %add3A_244 = arith.addi %add3A_243, %max3A_241 : vector<16xi32>
    %gather3A_245 = tpu.vector_load_idx %arg6[%add3A_244] : memref<80xf32, #tpu.memory_space<vmem>>[vector<16xi32>], vector<16xf32>,
    %ge3A_246 = arith.constant 8 : i32
    %ge3A_247 = vector.broadcast %ge3A_246 : i32 to vector<16xi32>
    %ge3A_248 = arith.cmpi sge, %iota3A, %ge3A_247 : vector<16xi32>
    %mul3A_249 = arith.mulf %select_n3A_233, %gather3A_245 : vector<16xf32>
    %select_n3A_250 = arith.select %ge3A_248, %mul3A_249, %select_n3A_233 : vector<16xi1>, vector<16xf32>
    %add3A_251 = arith.constant 48 : i32
    %add3A_252 = arith.addi %mul3A_5, %add3A_251 : i32
    %add3A_253 = vector.broadcast %add3A_252 : i32 to vector<16xi32>
    %add3A_254 = arith.addi %add3A_253, %iota3A : vector<16xi32>
    %get3A_255 = arith.constant 48 : index
    %get3A_256 = tpu.vector_load %arg5[%get3A_255] {strides = array<i32>} : memref<64xf32, #tpu.memory_space<vmem>>, vector<16xf32>,
    %le3A_257 = arith.constant 1000 : i32
    %le3A_258 = vector.broadcast %le3A_257 : i32 to vector<16xi32>
    %le3A_259 = arith.cmpi sle, %add3A_254, %le3A_258 : vector<16xi32>
    %jit3A_260 = arith.constant 0.000000e+00 : f32
    %broadcast_in_dim3A_261 = vector.broadcast %jit3A_260 : f32 to vector<16xf32>
    %select_n3A_262 = arith.select %le3A_259, %get3A_256, %broadcast_in_dim3A_261 : vector<16xi1>, vector<16xf32>
    %sub3A_263 = arith.constant 1.000000e+00 : f32
    %sub3A_264 = vector.broadcast %sub3A_263 : f32 to vector<16xf32>
    %sub3A_265 = arith.subf %sub3A_264, %select_n3A_262 : vector<16xf32>
    %swap3A_266 = arith.constant 48 : index
    %swap3A_267 = tpu.vector_load %arg6[%swap3A_266] {strides = array<i32>} : memref<80xf32, #tpu.memory_space<vmem>>, vector<16xf32>,
    tpu.vector_store %arg6[%swap3A_266], %sub3A_265 {strides = array<i32>} : memref<80xf32, #tpu.memory_space<vmem>>, vector<16xf32>,
    %sub3A_268 = arith.constant 1 : i32
    %sub3A_269 = vector.broadcast %sub3A_268 : i32 to vector<16xi32>
    %sub3A_270 = arith.subi %iota3A, %sub3A_269 : vector<16xi32>
    %max3A_271 = arith.constant 0 : i32
    %max3A_272 = vector.broadcast %max3A_271 : i32 to vector<16xi32>
    %max3A_273 = arith.maxsi %sub3A_270, %max3A_272 : vector<16xi32>
    %add3A_274 = arith.constant 48 : i32
    %add3A_275 = vector.broadcast %add3A_274 : i32 to vector<16xi32>
    %add3A_276 = arith.addi %add3A_275, %max3A_273 : vector<16xi32>
    %gather3A_277 = tpu.vector_load_idx %arg6[%add3A_276] : memref<80xf32, #tpu.memory_space<vmem>>[vector<16xi32>], vector<16xf32>,
    %ge3A_278 = arith.constant 1 : i32
    %ge3A_279 = vector.broadcast %ge3A_278 : i32 to vector<16xi32>
    %ge3A_280 = arith.cmpi sge, %iota3A, %ge3A_279 : vector<16xi32>
    %mul3A_281 = arith.mulf %sub3A_265, %gather3A_277 : vector<16xf32>
    %select_n3A_282 = arith.select %ge3A_280, %mul3A_281, %sub3A_265 : vector<16xi1>, vector<16xf32>
    %swap3A_283 = arith.constant 48 : index
    %swap3A_284 = tpu.vector_load %arg6[%swap3A_283] {strides = array<i32>} : memref<80xf32, #tpu.memory_space<vmem>>, vector<16xf32>,
    tpu.vector_store %arg6[%swap3A_283], %select_n3A_282 {strides = array<i32>} : memref<80xf32, #tpu.memory_space<vmem>>, vector<16xf32>,
    %sub3A_285 = arith.constant 2 : i32
    %sub3A_286 = vector.broadcast %sub3A_285 : i32 to vector<16xi32>
    %sub3A_287 = arith.subi %iota3A, %sub3A_286 : vector<16xi32>
    %max3A_288 = arith.constant 0 : i32
    %max3A_289 = vector.broadcast %max3A_288 : i32 to vector<16xi32>
    %max3A_290 = arith.maxsi %sub3A_287, %max3A_289 : vector<16xi32>
    %add3A_291 = arith.constant 48 : i32
    %add3A_292 = vector.broadcast %add3A_291 : i32 to vector<16xi32>
    %add3A_293 = arith.addi %add3A_292, %max3A_290 : vector<16xi32>
    %gather3A_294 = tpu.vector_load_idx %arg6[%add3A_293] : memref<80xf32, #tpu.memory_space<vmem>>[vector<16xi32>], vector<16xf32>,
    %ge3A_295 = arith.constant 2 : i32
    %ge3A_296 = vector.broadcast %ge3A_295 : i32 to vector<16xi32>
    %ge3A_297 = arith.cmpi sge, %iota3A, %ge3A_296 : vector<16xi32>
    %mul3A_298 = arith.mulf %select_n3A_282, %gather3A_294 : vector<16xf32>
    %select_n3A_299 = arith.select %ge3A_297, %mul3A_298, %select_n3A_282 : vector<16xi1>, vector<16xf32>
    %swap3A_300 = arith.constant 48 : index
    %swap3A_301 = tpu.vector_load %arg6[%swap3A_300] {strides = array<i32>} : memref<80xf32, #tpu.memory_space<vmem>>, vector<16xf32>,
    tpu.vector_store %arg6[%swap3A_300], %select_n3A_299 {strides = array<i32>} : memref<80xf32, #tpu.memory_space<vmem>>, vector<16xf32>,
    %sub3A_302 = arith.constant 4 : i32
    %sub3A_303 = vector.broadcast %sub3A_302 : i32 to vector<16xi32>
    %sub3A_304 = arith.subi %iota3A, %sub3A_303 : vector<16xi32>
    %max3A_305 = arith.constant 0 : i32
    %max3A_306 = vector.broadcast %max3A_305 : i32 to vector<16xi32>
    %max3A_307 = arith.maxsi %sub3A_304, %max3A_306 : vector<16xi32>
    %add3A_308 = arith.constant 48 : i32
    %add3A_309 = vector.broadcast %add3A_308 : i32 to vector<16xi32>
    %add3A_310 = arith.addi %add3A_309, %max3A_307 : vector<16xi32>
    %gather3A_311 = tpu.vector_load_idx %arg6[%add3A_310] : memref<80xf32, #tpu.memory_space<vmem>>[vector<16xi32>], vector<16xf32>,
    %ge3A_312 = arith.constant 4 : i32
    %ge3A_313 = vector.broadcast %ge3A_312 : i32 to vector<16xi32>
    %ge3A_314 = arith.cmpi sge, %iota3A, %ge3A_313 : vector<16xi32>
    %mul3A_315 = arith.mulf %select_n3A_299, %gather3A_311 : vector<16xf32>
    %select_n3A_316 = arith.select %ge3A_314, %mul3A_315, %select_n3A_299 : vector<16xi1>, vector<16xf32>
    %swap3A_317 = arith.constant 48 : index
    %swap3A_318 = tpu.vector_load %arg6[%swap3A_317] {strides = array<i32>} : memref<80xf32, #tpu.memory_space<vmem>>, vector<16xf32>,
    tpu.vector_store %arg6[%swap3A_317], %select_n3A_316 {strides = array<i32>} : memref<80xf32, #tpu.memory_space<vmem>>, vector<16xf32>,
    %sub3A_319 = arith.constant 8 : i32
    %sub3A_320 = vector.broadcast %sub3A_319 : i32 to vector<16xi32>
    %sub3A_321 = arith.subi %iota3A, %sub3A_320 : vector<16xi32>
    %max3A_322 = arith.constant 0 : i32
    %max3A_323 = vector.broadcast %max3A_322 : i32 to vector<16xi32>
    %max3A_324 = arith.maxsi %sub3A_321, %max3A_323 : vector<16xi32>
    %add3A_325 = arith.constant 48 : i32
    %add3A_326 = vector.broadcast %add3A_325 : i32 to vector<16xi32>
    %add3A_327 = arith.addi %add3A_326, %max3A_324 : vector<16xi32>
    %gather3A_328 = tpu.vector_load_idx %arg6[%add3A_327] : memref<80xf32, #tpu.memory_space<vmem>>[vector<16xi32>], vector<16xf32>,
    %ge3A_329 = arith.constant 8 : i32
    %ge3A_330 = vector.broadcast %ge3A_329 : i32 to vector<16xi32>
    %ge3A_331 = arith.cmpi sge, %iota3A, %ge3A_330 : vector<16xi32>
    %mul3A_332 = arith.mulf %select_n3A_316, %gather3A_328 : vector<16xf32>
    %select_n3A_333 = arith.select %ge3A_331, %mul3A_332, %select_n3A_316 : vector<16xi1>, vector<16xf32>
    %swap3A_334 = arith.constant 0 : index
    %swap3A_335 = tpu.vector_load %arg6[%swap3A_334] {strides = array<i32>} : memref<80xf32, #tpu.memory_space<vmem>>, vector<16xf32>,
    tpu.vector_store %arg6[%swap3A_334], %select_n3A_84 {strides = array<i32>} : memref<80xf32, #tpu.memory_space<vmem>>, vector<16xf32>,
    %broadcast_in_dim3A_336 = arith.constant 0 : i32
    %broadcast_in_dim3A_337 = vector.broadcast %broadcast_in_dim3A_336 : i32 to vector<16xi32>
    %add3A_338 = arith.constant 15 : i32
    %add3A_339 = vector.broadcast %add3A_338 : i32 to vector<16xi32>
    %add3A_340 = arith.addi %broadcast_in_dim3A_337, %add3A_339 : vector<16xi32>
    %gather3A_341 = tpu.vector_load_idx %arg6[%add3A_340] : memref<80xf32, #tpu.memory_space<vmem>>[vector<16xi32>], vector<16xf32>,
    %swap3A_342 = arith.constant 16 : index
    %swap3A_343 = tpu.vector_load %arg6[%swap3A_342] {strides = array<i32>} : memref<80xf32, #tpu.memory_space<vmem>>, vector<16xf32>,
    tpu.vector_store %arg6[%swap3A_342], %select_n3A_167 {strides = array<i32>} : memref<80xf32, #tpu.memory_space<vmem>>, vector<16xf32>,
    %broadcast_in_dim3A_344 = arith.constant 16 : i32
    %broadcast_in_dim3A_345 = vector.broadcast %broadcast_in_dim3A_344 : i32 to vector<16xi32>
    %add3A_346 = arith.constant 15 : i32
    %add3A_347 = vector.broadcast %add3A_346 : i32 to vector<16xi32>
    %add3A_348 = arith.addi %broadcast_in_dim3A_345, %add3A_347 : vector<16xi32>
    %gather3A_349 = tpu.vector_load_idx %arg6[%add3A_348] : memref<80xf32, #tpu.memory_space<vmem>>[vector<16xi32>], vector<16xf32>,
    %swap3A_350 = arith.constant 32 : index
    %swap3A_351 = tpu.vector_load %arg6[%swap3A_350] {strides = array<i32>} : memref<80xf32, #tpu.memory_space<vmem>>, vector<16xf32>,
    tpu.vector_store %arg6[%swap3A_350], %select_n3A_250 {strides = array<i32>} : memref<80xf32, #tpu.memory_space<vmem>>, vector<16xf32>,
    %broadcast_in_dim3A_352 = arith.constant 32 : i32
    %broadcast_in_dim3A_353 = vector.broadcast %broadcast_in_dim3A_352 : i32 to vector<16xi32>
    %add3A_354 = arith.constant 15 : i32
    %add3A_355 = vector.broadcast %add3A_354 : i32 to vector<16xi32>
    %add3A_356 = arith.addi %broadcast_in_dim3A_353, %add3A_355 : vector<16xi32>
    %gather3A_357 = tpu.vector_load_idx %arg6[%add3A_356] : memref<80xf32, #tpu.memory_space<vmem>>[vector<16xi32>], vector<16xf32>,
    %swap3A_358 = arith.constant 48 : index
    %swap3A_359 = tpu.vector_load %arg6[%swap3A_358] {strides = array<i32>} : memref<80xf32, #tpu.memory_space<vmem>>, vector<16xf32>,
    tpu.vector_store %arg6[%swap3A_358], %select_n3A_333 {strides = array<i32>} : memref<80xf32, #tpu.memory_space<vmem>>, vector<16xf32>,
    %broadcast_in_dim3A_360 = arith.constant 48 : i32
    %broadcast_in_dim3A_361 = vector.broadcast %broadcast_in_dim3A_360 : i32 to vector<16xi32>
    %add3A_362 = arith.constant 15 : i32
    %add3A_363 = vector.broadcast %add3A_362 : i32 to vector<16xi32>
    %add3A_364 = arith.addi %broadcast_in_dim3A_361, %add3A_363 : vector<16xi32>
    %gather3A_365 = tpu.vector_load_idx %arg6[%add3A_364] : memref<80xf32, #tpu.memory_space<vmem>>[vector<16xi32>], vector<16xf32>,
    %mul3A_366 = arith.mulf %select_n3A_167, %gather3A_341 : vector<16xf32>
    %mul3A_367 = arith.mulf %gather3A_341, %gather3A_349 : vector<16xf32>
    %mul3A_368 = arith.mulf %select_n3A_250, %mul3A_367 : vector<16xf32>
    %mul3A_369 = arith.mulf %mul3A_367, %gather3A_357 : vector<16xf32>
    %mul3A_370 = arith.mulf %select_n3A_333, %mul3A_369 : vector<16xf32>
    %mul3A_371 = arith.mulf %mul3A_369, %gather3A_365 : vector<16xf32>
    %swap3A_372 = arith.constant 64 : index
    %swap3A_373 = tpu.vector_load %arg6[%swap3A_372] {strides = array<i32>} : memref<80xf32, #tpu.memory_space<vmem>>, vector<16xf32>,
    tpu.vector_store %arg6[%swap3A_372], %mul3A_371 {strides = array<i32>} : memref<80xf32, #tpu.memory_space<vmem>>, vector<16xf32>,
    %mul3A_374 = arith.constant 16 : i32
    %mul3A_375 = arith.muli %arg1, %mul3A_374 : i32
    "tpu.region"() ({
      %run_scoped3A = tpu.sem_alloc : memref<!tpu.dma_semaphore, #tpu.memory_space<semaphore_mem>>
      %dma_start3A_1338 = arith.constant 64 : i32
      %dma_start3A_1339 = tpu.memref_slice %arg6[%dma_start3A_1338] : memref<80xf32, #tpu.memory_space<vmem>> -> memref<16xf32, #tpu.memory_space<vmem>>
      %dma_start3A_1340 = tpu.memref_slice %arg12[%mul3A_375] : memref<256xf32, #tpu.memory_space<vmem_shared>> -> memref<16xf32, #tpu.memory_space<vmem_shared>>
      %dma_start3A_1341 = tpu.memref_slice %arg12[%mul3A_375] : memref<256xf32, #tpu.memory_space<vmem_shared>> -> memref<16xf32, #tpu.memory_space<vmem_shared>>
      %dma_start3A_1342 = arith.constant 64 : i32
      %dma_start3A_1343 = tpu.memref_slice %arg6[%dma_start3A_1342] : memref<80xf32, #tpu.memory_space<vmem>> -> memref<16xf32, #tpu.memory_space<vmem>>
      tpu.enqueue_dma source(%dma_start3A_1343 : memref<16xf32, #tpu.memory_space<vmem>>) target(%dma_start3A_1341 : memref<16xf32, #tpu.memory_space<vmem_shared>>) target_semaphore(%run_scoped3A : memref<!tpu.dma_semaphore, #tpu.memory_space<semaphore_mem>>)
      %dma_wait3A_1344 = arith.constant 64 : i32
      %dma_wait3A_1345 = tpu.memref_slice %arg6[%dma_wait3A_1344] : memref<80xf32, #tpu.memory_space<vmem>> -> memref<16xf32, #tpu.memory_space<vmem>>
      %dma_wait3A_1346 = tpu.memref_slice %arg12[%mul3A_375] : memref<256xf32, #tpu.memory_space<vmem_shared>> -> memref<16xf32, #tpu.memory_space<vmem_shared>>
      %dma_wait3A_1347 = tpu.memref_slice %arg12[%mul3A_375] : memref<256xf32, #tpu.memory_space<vmem_shared>> -> memref<16xf32, #tpu.memory_space<vmem_shared>>
      %dma_wait3A_1348 = arith.constant 64 : i32
      %dma_wait3A_1349 = tpu.memref_slice %arg6[%dma_wait3A_1348] : memref<80xf32, #tpu.memory_space<vmem>> -> memref<16xf32, #tpu.memory_space<vmem>>
      tpu.wait_dma2 semaphore(%run_scoped3A : memref<!tpu.dma_semaphore, #tpu.memory_space<semaphore_mem>>) src(%dma_wait3A_1349 : memref<16xf32, #tpu.memory_space<vmem>>) dst(%dma_wait3A_1347 : memref<16xf32, #tpu.memory_space<vmem_shared>>)
      tpu.yield
    }) : () -> ()
    %max3A_376 = arith.constant 1.000000e-30 : f32
    %max3A_377 = vector.broadcast %max3A_376 : f32 to vector<16xf32>
    %max3A_378 = arith.maximumf %select_n3A, %max3A_377 : vector<16xf32>
    %bitcast3A = vector.bitcast %max3A_378 : vector<16xf32> to vector<16xi32>
    %shift_right_arithmetic3A = arith.constant 1 : i32
    %shift_right_arithmetic3A_379 = vector.broadcast %shift_right_arithmetic3A : i32 to vector<16xi32>
    %shift_right_arithmetic3A_380 = arith.shrsi %bitcast3A, %shift_right_arithmetic3A_379 : vector<16xi32>
    %sub3A_381 = arith.constant 1597463007 : i32
    %sub3A_382 = vector.broadcast %sub3A_381 : i32 to vector<16xi32>
    %sub3A_383 = arith.subi %sub3A_382, %shift_right_arithmetic3A_380 : vector<16xi32>
    %bitcast3A_384 = vector.bitcast %sub3A_383 : vector<16xi32> to vector<16xf32>
    %mul3A_385 = arith.constant 5.000000e-01 : f32
    %mul3A_386 = vector.broadcast %mul3A_385 : f32 to vector<16xf32>
    %mul3A_387 = arith.mulf %mul3A_386, %max3A_378 : vector<16xf32>
    %mul3A_388 = arith.mulf %mul3A_387, %bitcast3A_384 : vector<16xf32>
    %mul3A_389 = arith.mulf %mul3A_388, %bitcast3A_384 : vector<16xf32>
    %sub3A_390 = arith.constant 1.500000e+00 : f32
    %sub3A_391 = vector.broadcast %sub3A_390 : f32 to vector<16xf32>
    %sub3A_392 = arith.subf %sub3A_391, %mul3A_389 : vector<16xf32>
    %mul3A_393 = arith.mulf %bitcast3A_384, %sub3A_392 : vector<16xf32>
    %mul3A_394 = arith.constant 5.000000e-01 : f32
    %mul3A_395 = vector.broadcast %mul3A_394 : f32 to vector<16xf32>
    %mul3A_396 = arith.mulf %mul3A_395, %max3A_378 : vector<16xf32>
    %mul3A_397 = arith.mulf %mul3A_396, %mul3A_393 : vector<16xf32>
    %mul3A_398 = arith.mulf %mul3A_397, %mul3A_393 : vector<16xf32>
    %sub3A_399 = arith.constant 1.500000e+00 : f32
    %sub3A_400 = vector.broadcast %sub3A_399 : f32 to vector<16xf32>
    %sub3A_401 = arith.subf %sub3A_400, %mul3A_398 : vector<16xf32>
    %mul3A_402 = arith.mulf %mul3A_393, %sub3A_401 : vector<16xf32>
    %mul3A_403 = arith.constant 5.000000e-01 : f32
    %mul3A_404 = vector.broadcast %mul3A_403 : f32 to vector<16xf32>
    %mul3A_405 = arith.mulf %mul3A_404, %max3A_378 : vector<16xf32>
    %mul3A_406 = arith.mulf %mul3A_405, %mul3A_402 : vector<16xf32>
    %mul3A_407 = arith.mulf %mul3A_406, %mul3A_402 : vector<16xf32>
    %sub3A_408 = arith.constant 1.500000e+00 : f32
    %sub3A_409 = vector.broadcast %sub3A_408 : f32 to vector<16xf32>
    %sub3A_410 = arith.subf %sub3A_409, %mul3A_407 : vector<16xf32>
    %mul3A_411 = arith.mulf %mul3A_402, %sub3A_410 : vector<16xf32>
    %mul3A_412 = arith.mulf %select_n3A, %mul3A_411 : vector<16xf32>
    %max3A_413 = arith.constant 1.000000e-30 : f32
    %max3A_414 = vector.broadcast %max3A_413 : f32 to vector<16xf32>
    %max3A_415 = arith.maximumf %select_n3A_96, %max3A_414 : vector<16xf32>
    %bitcast3A_416 = vector.bitcast %max3A_415 : vector<16xf32> to vector<16xi32>
    %shift_right_arithmetic3A_417 = arith.constant 1 : i32
    %shift_right_arithmetic3A_418 = vector.broadcast %shift_right_arithmetic3A_417 : i32 to vector<16xi32>
    %shift_right_arithmetic3A_419 = arith.shrsi %bitcast3A_416, %shift_right_arithmetic3A_418 : vector<16xi32>
    %sub3A_420 = arith.constant 1597463007 : i32
    %sub3A_421 = vector.broadcast %sub3A_420 : i32 to vector<16xi32>
    %sub3A_422 = arith.subi %sub3A_421, %shift_right_arithmetic3A_419 : vector<16xi32>
    %bitcast3A_423 = vector.bitcast %sub3A_422 : vector<16xi32> to vector<16xf32>
    %mul3A_424 = arith.constant 5.000000e-01 : f32
    %mul3A_425 = vector.broadcast %mul3A_424 : f32 to vector<16xf32>
    %mul3A_426 = arith.mulf %mul3A_425, %max3A_415 : vector<16xf32>
    %mul3A_427 = arith.mulf %mul3A_426, %bitcast3A_423 : vector<16xf32>
    %mul3A_428 = arith.mulf %mul3A_427, %bitcast3A_423 : vector<16xf32>
    %sub3A_429 = arith.constant 1.500000e+00 : f32
    %sub3A_430 = vector.broadcast %sub3A_429 : f32 to vector<16xf32>
    %sub3A_431 = arith.subf %sub3A_430, %mul3A_428 : vector<16xf32>
    %mul3A_432 = arith.mulf %bitcast3A_423, %sub3A_431 : vector<16xf32>
    %mul3A_433 = arith.constant 5.000000e-01 : f32
    %mul3A_434 = vector.broadcast %mul3A_433 : f32 to vector<16xf32>
    %mul3A_435 = arith.mulf %mul3A_434, %max3A_415 : vector<16xf32>
    %mul3A_436 = arith.mulf %mul3A_435, %mul3A_432 : vector<16xf32>
    %mul3A_437 = arith.mulf %mul3A_436, %mul3A_432 : vector<16xf32>
    %sub3A_438 = arith.constant 1.500000e+00 : f32
    %sub3A_439 = vector.broadcast %sub3A_438 : f32 to vector<16xf32>
    %sub3A_440 = arith.subf %sub3A_439, %mul3A_437 : vector<16xf32>
    %mul3A_441 = arith.mulf %mul3A_432, %sub3A_440 : vector<16xf32>
    %mul3A_442 = arith.constant 5.000000e-01 : f32
    %mul3A_443 = vector.broadcast %mul3A_442 : f32 to vector<16xf32>
    %mul3A_444 = arith.mulf %mul3A_443, %max3A_415 : vector<16xf32>
    %mul3A_445 = arith.mulf %mul3A_444, %mul3A_441 : vector<16xf32>
    %mul3A_446 = arith.mulf %mul3A_445, %mul3A_441 : vector<16xf32>
    %sub3A_447 = arith.constant 1.500000e+00 : f32
    %sub3A_448 = vector.broadcast %sub3A_447 : f32 to vector<16xf32>
    %sub3A_449 = arith.subf %sub3A_448, %mul3A_446 : vector<16xf32>
    %mul3A_450 = arith.mulf %mul3A_441, %sub3A_449 : vector<16xf32>
    %mul3A_451 = arith.mulf %select_n3A_96, %mul3A_450 : vector<16xf32>
    %max3A_452 = arith.constant 1.000000e-30 : f32
    %max3A_453 = vector.broadcast %max3A_452 : f32 to vector<16xf32>
    %max3A_454 = arith.maximumf %select_n3A_179, %max3A_453 : vector<16xf32>
    %bitcast3A_455 = vector.bitcast %max3A_454 : vector<16xf32> to vector<16xi32>
    %shift_right_arithmetic3A_456 = arith.constant 1 : i32
    %shift_right_arithmetic3A_457 = vector.broadcast %shift_right_arithmetic3A_456 : i32 to vector<16xi32>
    %shift_right_arithmetic3A_458 = arith.shrsi %bitcast3A_455, %shift_right_arithmetic3A_457 : vector<16xi32>
    %sub3A_459 = arith.constant 1597463007 : i32
    %sub3A_460 = vector.broadcast %sub3A_459 : i32 to vector<16xi32>
    %sub3A_461 = arith.subi %sub3A_460, %shift_right_arithmetic3A_458 : vector<16xi32>
    %bitcast3A_462 = vector.bitcast %sub3A_461 : vector<16xi32> to vector<16xf32>
    %mul3A_463 = arith.constant 5.000000e-01 : f32
    %mul3A_464 = vector.broadcast %mul3A_463 : f32 to vector<16xf32>
    %mul3A_465 = arith.mulf %mul3A_464, %max3A_454 : vector<16xf32>
    %mul3A_466 = arith.mulf %mul3A_465, %bitcast3A_462 : vector<16xf32>
    %mul3A_467 = arith.mulf %mul3A_466, %bitcast3A_462 : vector<16xf32>
    %sub3A_468 = arith.constant 1.500000e+00 : f32
    %sub3A_469 = vector.broadcast %sub3A_468 : f32 to vector<16xf32>
    %sub3A_470 = arith.subf %sub3A_469, %mul3A_467 : vector<16xf32>
    %mul3A_471 = arith.mulf %bitcast3A_462, %sub3A_470 : vector<16xf32>
    %mul3A_472 = arith.constant 5.000000e-01 : f32
    %mul3A_473 = vector.broadcast %mul3A_472 : f32 to vector<16xf32>
    %mul3A_474 = arith.mulf %mul3A_473, %max3A_454 : vector<16xf32>
    %mul3A_475 = arith.mulf %mul3A_474, %mul3A_471 : vector<16xf32>
    %mul3A_476 = arith.mulf %mul3A_475, %mul3A_471 : vector<16xf32>
    %sub3A_477 = arith.constant 1.500000e+00 : f32
    %sub3A_478 = vector.broadcast %sub3A_477 : f32 to vector<16xf32>
    %sub3A_479 = arith.subf %sub3A_478, %mul3A_476 : vector<16xf32>
    %mul3A_480 = arith.mulf %mul3A_471, %sub3A_479 : vector<16xf32>
    %mul3A_481 = arith.constant 5.000000e-01 : f32
    %mul3A_482 = vector.broadcast %mul3A_481 : f32 to vector<16xf32>
    %mul3A_483 = arith.mulf %mul3A_482, %max3A_454 : vector<16xf32>
    %mul3A_484 = arith.mulf %mul3A_483, %mul3A_480 : vector<16xf32>
    %mul3A_485 = arith.mulf %mul3A_484, %mul3A_480 : vector<16xf32>
    %sub3A_486 = arith.constant 1.500000e+00 : f32
    %sub3A_487 = vector.broadcast %sub3A_486 : f32 to vector<16xf32>
    %sub3A_488 = arith.subf %sub3A_487, %mul3A_485 : vector<16xf32>
    %mul3A_489 = arith.mulf %mul3A_480, %sub3A_488 : vector<16xf32>
    %mul3A_490 = arith.mulf %select_n3A_179, %mul3A_489 : vector<16xf32>
    %max3A_491 = arith.constant 1.000000e-30 : f32
    %max3A_492 = vector.broadcast %max3A_491 : f32 to vector<16xf32>
    %max3A_493 = arith.maximumf %select_n3A_262, %max3A_492 : vector<16xf32>
    %bitcast3A_494 = vector.bitcast %max3A_493 : vector<16xf32> to vector<16xi32>
    %shift_right_arithmetic3A_495 = arith.constant 1 : i32
    %shift_right_arithmetic3A_496 = vector.broadcast %shift_right_arithmetic3A_495 : i32 to vector<16xi32>
    %shift_right_arithmetic3A_497 = arith.shrsi %bitcast3A_494, %shift_right_arithmetic3A_496 : vector<16xi32>
    %sub3A_498 = arith.constant 1597463007 : i32
    %sub3A_499 = vector.broadcast %sub3A_498 : i32 to vector<16xi32>
    %sub3A_500 = arith.subi %sub3A_499, %shift_right_arithmetic3A_497 : vector<16xi32>
    %bitcast3A_501 = vector.bitcast %sub3A_500 : vector<16xi32> to vector<16xf32>
    %mul3A_502 = arith.constant 5.000000e-01 : f32
    %mul3A_503 = vector.broadcast %mul3A_502 : f32 to vector<16xf32>
    %mul3A_504 = arith.mulf %mul3A_503, %max3A_493 : vector<16xf32>
    %mul3A_505 = arith.mulf %mul3A_504, %bitcast3A_501 : vector<16xf32>
    %mul3A_506 = arith.mulf %mul3A_505, %bitcast3A_501 : vector<16xf32>
    %sub3A_507 = arith.constant 1.500000e+00 : f32
    %sub3A_508 = vector.broadcast %sub3A_507 : f32 to vector<16xf32>
    %sub3A_509 = arith.subf %sub3A_508, %mul3A_506 : vector<16xf32>
    %mul3A_510 = arith.mulf %bitcast3A_501, %sub3A_509 : vector<16xf32>
    %mul3A_511 = arith.constant 5.000000e-01 : f32
    %mul3A_512 = vector.broadcast %mul3A_511 : f32 to vector<16xf32>
    %mul3A_513 = arith.mulf %mul3A_512, %max3A_493 : vector<16xf32>
    %mul3A_514 = arith.mulf %mul3A_513, %mul3A_510 : vector<16xf32>
    %mul3A_515 = arith.mulf %mul3A_514, %mul3A_510 : vector<16xf32>
    %sub3A_516 = arith.constant 1.500000e+00 : f32
    %sub3A_517 = vector.broadcast %sub3A_516 : f32 to vector<16xf32>
    %sub3A_518 = arith.subf %sub3A_517, %mul3A_515 : vector<16xf32>
    %mul3A_519 = arith.mulf %mul3A_510, %sub3A_518 : vector<16xf32>
    %mul3A_520 = arith.constant 5.000000e-01 : f32
    %mul3A_521 = vector.broadcast %mul3A_520 : f32 to vector<16xf32>
    %mul3A_522 = arith.mulf %mul3A_521, %max3A_493 : vector<16xf32>
    %mul3A_523 = arith.mulf %mul3A_522, %mul3A_519 : vector<16xf32>
    %mul3A_524 = arith.mulf %mul3A_523, %mul3A_519 : vector<16xf32>
    %sub3A_525 = arith.constant 1.500000e+00 : f32
    %sub3A_526 = vector.broadcast %sub3A_525 : f32 to vector<16xf32>
    %sub3A_527 = arith.subf %sub3A_526, %mul3A_524 : vector<16xf32>
    %mul3A_528 = arith.mulf %mul3A_519, %sub3A_527 : vector<16xf32>
    %mul3A_529 = arith.mulf %select_n3A_262, %mul3A_528 : vector<16xf32>
    %bitcast3A_530 = vector.bitcast %sub3A_20 : vector<16xf32> to vector<16xi32>
    %shift_right_arithmetic3A_531 = arith.constant 1 : i32
    %shift_right_arithmetic3A_532 = vector.broadcast %shift_right_arithmetic3A_531 : i32 to vector<16xi32>
    %shift_right_arithmetic3A_533 = arith.shrsi %bitcast3A_530, %shift_right_arithmetic3A_532 : vector<16xi32>
    %sub3A_534 = arith.constant 1597463007 : i32
    %sub3A_535 = vector.broadcast %sub3A_534 : i32 to vector<16xi32>
    %sub3A_536 = arith.subi %sub3A_535, %shift_right_arithmetic3A_533 : vector<16xi32>
    %bitcast3A_537 = vector.bitcast %sub3A_536 : vector<16xi32> to vector<16xf32>
    %mul3A_538 = arith.constant 5.000000e-01 : f32
    %mul3A_539 = vector.broadcast %mul3A_538 : f32 to vector<16xf32>
    %mul3A_540 = arith.mulf %mul3A_539, %sub3A_20 : vector<16xf32>
    %mul3A_541 = arith.mulf %mul3A_540, %bitcast3A_537 : vector<16xf32>
    %mul3A_542 = arith.mulf %mul3A_541, %bitcast3A_537 : vector<16xf32>
    %sub3A_543 = arith.constant 1.500000e+00 : f32
    %sub3A_544 = vector.broadcast %sub3A_543 : f32 to vector<16xf32>
    %sub3A_545 = arith.subf %sub3A_544, %mul3A_542 : vector<16xf32>
    %mul3A_546 = arith.mulf %bitcast3A_537, %sub3A_545 : vector<16xf32>
    %mul3A_547 = arith.constant 5.000000e-01 : f32
    %mul3A_548 = vector.broadcast %mul3A_547 : f32 to vector<16xf32>
    %mul3A_549 = arith.mulf %mul3A_548, %sub3A_20 : vector<16xf32>
    %mul3A_550 = arith.mulf %mul3A_549, %mul3A_546 : vector<16xf32>
    %mul3A_551 = arith.mulf %mul3A_550, %mul3A_546 : vector<16xf32>
    %sub3A_552 = arith.constant 1.500000e+00 : f32
    %sub3A_553 = vector.broadcast %sub3A_552 : f32 to vector<16xf32>
    %sub3A_554 = arith.subf %sub3A_553, %mul3A_551 : vector<16xf32>
    %mul3A_555 = arith.mulf %mul3A_546, %sub3A_554 : vector<16xf32>
    %mul3A_556 = arith.constant 5.000000e-01 : f32
    %mul3A_557 = vector.broadcast %mul3A_556 : f32 to vector<16xf32>
    %mul3A_558 = arith.mulf %mul3A_557, %sub3A_20 : vector<16xf32>
    %mul3A_559 = arith.mulf %mul3A_558, %mul3A_555 : vector<16xf32>
    %mul3A_560 = arith.mulf %mul3A_559, %mul3A_555 : vector<16xf32>
    %sub3A_561 = arith.constant 1.500000e+00 : f32
    %sub3A_562 = vector.broadcast %sub3A_561 : f32 to vector<16xf32>
    %sub3A_563 = arith.subf %sub3A_562, %mul3A_560 : vector<16xf32>
    %mul3A_564 = arith.mulf %mul3A_555, %sub3A_563 : vector<16xf32>
    %bitcast3A_565 = vector.bitcast %sub3A_99 : vector<16xf32> to vector<16xi32>
    %shift_right_arithmetic3A_566 = arith.constant 1 : i32
    %shift_right_arithmetic3A_567 = vector.broadcast %shift_right_arithmetic3A_566 : i32 to vector<16xi32>
    %shift_right_arithmetic3A_568 = arith.shrsi %bitcast3A_565, %shift_right_arithmetic3A_567 : vector<16xi32>
    %sub3A_569 = arith.constant 1597463007 : i32
    %sub3A_570 = vector.broadcast %sub3A_569 : i32 to vector<16xi32>
    %sub3A_571 = arith.subi %sub3A_570, %shift_right_arithmetic3A_568 : vector<16xi32>
    %bitcast3A_572 = vector.bitcast %sub3A_571 : vector<16xi32> to vector<16xf32>
    %mul3A_573 = arith.constant 5.000000e-01 : f32
    %mul3A_574 = vector.broadcast %mul3A_573 : f32 to vector<16xf32>
    %mul3A_575 = arith.mulf %mul3A_574, %sub3A_99 : vector<16xf32>
    %mul3A_576 = arith.mulf %mul3A_575, %bitcast3A_572 : vector<16xf32>
    %mul3A_577 = arith.mulf %mul3A_576, %bitcast3A_572 : vector<16xf32>
    %sub3A_578 = arith.constant 1.500000e+00 : f32
    %sub3A_579 = vector.broadcast %sub3A_578 : f32 to vector<16xf32>
    %sub3A_580 = arith.subf %sub3A_579, %mul3A_577 : vector<16xf32>
    %mul3A_581 = arith.mulf %bitcast3A_572, %sub3A_580 : vector<16xf32>
    %mul3A_582 = arith.constant 5.000000e-01 : f32
    %mul3A_583 = vector.broadcast %mul3A_582 : f32 to vector<16xf32>
    %mul3A_584 = arith.mulf %mul3A_583, %sub3A_99 : vector<16xf32>
    %mul3A_585 = arith.mulf %mul3A_584, %mul3A_581 : vector<16xf32>
    %mul3A_586 = arith.mulf %mul3A_585, %mul3A_581 : vector<16xf32>
    %sub3A_587 = arith.constant 1.500000e+00 : f32
    %sub3A_588 = vector.broadcast %sub3A_587 : f32 to vector<16xf32>
    %sub3A_589 = arith.subf %sub3A_588, %mul3A_586 : vector<16xf32>
    %mul3A_590 = arith.mulf %mul3A_581, %sub3A_589 : vector<16xf32>
    %mul3A_591 = arith.constant 5.000000e-01 : f32
    %mul3A_592 = vector.broadcast %mul3A_591 : f32 to vector<16xf32>
    %mul3A_593 = arith.mulf %mul3A_592, %sub3A_99 : vector<16xf32>
    %mul3A_594 = arith.mulf %mul3A_593, %mul3A_590 : vector<16xf32>
    %mul3A_595 = arith.mulf %mul3A_594, %mul3A_590 : vector<16xf32>
    %sub3A_596 = arith.constant 1.500000e+00 : f32
    %sub3A_597 = vector.broadcast %sub3A_596 : f32 to vector<16xf32>
    %sub3A_598 = arith.subf %sub3A_597, %mul3A_595 : vector<16xf32>
    %mul3A_599 = arith.mulf %mul3A_590, %sub3A_598 : vector<16xf32>
    %bitcast3A_600 = vector.bitcast %sub3A_182 : vector<16xf32> to vector<16xi32>
    %shift_right_arithmetic3A_601 = arith.constant 1 : i32
    %shift_right_arithmetic3A_602 = vector.broadcast %shift_right_arithmetic3A_601 : i32 to vector<16xi32>
    %shift_right_arithmetic3A_603 = arith.shrsi %bitcast3A_600, %shift_right_arithmetic3A_602 : vector<16xi32>
    %sub3A_604 = arith.constant 1597463007 : i32
    %sub3A_605 = vector.broadcast %sub3A_604 : i32 to vector<16xi32>
    %sub3A_606 = arith.subi %sub3A_605, %shift_right_arithmetic3A_603 : vector<16xi32>
    %bitcast3A_607 = vector.bitcast %sub3A_606 : vector<16xi32> to vector<16xf32>
    %mul3A_608 = arith.constant 5.000000e-01 : f32
    %mul3A_609 = vector.broadcast %mul3A_608 : f32 to vector<16xf32>
    %mul3A_610 = arith.mulf %mul3A_609, %sub3A_182 : vector<16xf32>
    %mul3A_611 = arith.mulf %mul3A_610, %bitcast3A_607 : vector<16xf32>
    %mul3A_612 = arith.mulf %mul3A_611, %bitcast3A_607 : vector<16xf32>
    %sub3A_613 = arith.constant 1.500000e+00 : f32
    %sub3A_614 = vector.broadcast %sub3A_613 : f32 to vector<16xf32>
    %sub3A_615 = arith.subf %sub3A_614, %mul3A_612 : vector<16xf32>
    %mul3A_616 = arith.mulf %bitcast3A_607, %sub3A_615 : vector<16xf32>
    %mul3A_617 = arith.constant 5.000000e-01 : f32
    %mul3A_618 = vector.broadcast %mul3A_617 : f32 to vector<16xf32>
    %mul3A_619 = arith.mulf %mul3A_618, %sub3A_182 : vector<16xf32>
    %mul3A_620 = arith.mulf %mul3A_619, %mul3A_616 : vector<16xf32>
    %mul3A_621 = arith.mulf %mul3A_620, %mul3A_616 : vector<16xf32>
    %sub3A_622 = arith.constant 1.500000e+00 : f32
    %sub3A_623 = vector.broadcast %sub3A_622 : f32 to vector<16xf32>
    %sub3A_624 = arith.subf %sub3A_623, %mul3A_621 : vector<16xf32>
    %mul3A_625 = arith.mulf %mul3A_616, %sub3A_624 : vector<16xf32>
    %mul3A_626 = arith.constant 5.000000e-01 : f32
    %mul3A_627 = vector.broadcast %mul3A_626 : f32 to vector<16xf32>
    %mul3A_628 = arith.mulf %mul3A_627, %sub3A_182 : vector<16xf32>
    %mul3A_629 = arith.mulf %mul3A_628, %mul3A_625 : vector<16xf32>
    %mul3A_630 = arith.mulf %mul3A_629, %mul3A_625 : vector<16xf32>
    %sub3A_631 = arith.constant 1.500000e+00 : f32
    %sub3A_632 = vector.broadcast %sub3A_631 : f32 to vector<16xf32>
    %sub3A_633 = arith.subf %sub3A_632, %mul3A_630 : vector<16xf32>
    %mul3A_634 = arith.mulf %mul3A_625, %sub3A_633 : vector<16xf32>
    %bitcast3A_635 = vector.bitcast %sub3A_265 : vector<16xf32> to vector<16xi32>
    %shift_right_arithmetic3A_636 = arith.constant 1 : i32
    %shift_right_arithmetic3A_637 = vector.broadcast %shift_right_arithmetic3A_636 : i32 to vector<16xi32>
    %shift_right_arithmetic3A_638 = arith.shrsi %bitcast3A_635, %shift_right_arithmetic3A_637 : vector<16xi32>
    %sub3A_639 = arith.constant 1597463007 : i32
    %sub3A_640 = vector.broadcast %sub3A_639 : i32 to vector<16xi32>
    %sub3A_641 = arith.subi %sub3A_640, %shift_right_arithmetic3A_638 : vector<16xi32>
    %bitcast3A_642 = vector.bitcast %sub3A_641 : vector<16xi32> to vector<16xf32>
    %mul3A_643 = arith.constant 5.000000e-01 : f32
    %mul3A_644 = vector.broadcast %mul3A_643 : f32 to vector<16xf32>
    %mul3A_645 = arith.mulf %mul3A_644, %sub3A_265 : vector<16xf32>
    %mul3A_646 = arith.mulf %mul3A_645, %bitcast3A_642 : vector<16xf32>
    %mul3A_647 = arith.mulf %mul3A_646, %bitcast3A_642 : vector<16xf32>
    %sub3A_648 = arith.constant 1.500000e+00 : f32
    %sub3A_649 = vector.broadcast %sub3A_648 : f32 to vector<16xf32>
    %sub3A_650 = arith.subf %sub3A_649, %mul3A_647 : vector<16xf32>
    %mul3A_651 = arith.mulf %bitcast3A_642, %sub3A_650 : vector<16xf32>
    %mul3A_652 = arith.constant 5.000000e-01 : f32
    %mul3A_653 = vector.broadcast %mul3A_652 : f32 to vector<16xf32>
    %mul3A_654 = arith.mulf %mul3A_653, %sub3A_265 : vector<16xf32>
    %mul3A_655 = arith.mulf %mul3A_654, %mul3A_651 : vector<16xf32>
    %mul3A_656 = arith.mulf %mul3A_655, %mul3A_651 : vector<16xf32>
    %sub3A_657 = arith.constant 1.500000e+00 : f32
    %sub3A_658 = vector.broadcast %sub3A_657 : f32 to vector<16xf32>
    %sub3A_659 = arith.subf %sub3A_658, %mul3A_656 : vector<16xf32>
    %mul3A_660 = arith.mulf %mul3A_651, %sub3A_659 : vector<16xf32>
    %mul3A_661 = arith.constant 5.000000e-01 : f32
    %mul3A_662 = vector.broadcast %mul3A_661 : f32 to vector<16xf32>
    %mul3A_663 = arith.mulf %mul3A_662, %sub3A_265 : vector<16xf32>
    %mul3A_664 = arith.mulf %mul3A_663, %mul3A_660 : vector<16xf32>
    %mul3A_665 = arith.mulf %mul3A_664, %mul3A_660 : vector<16xf32>
    %sub3A_666 = arith.constant 1.500000e+00 : f32
    %sub3A_667 = vector.broadcast %sub3A_666 : f32 to vector<16xf32>
    %sub3A_668 = arith.subf %sub3A_667, %mul3A_665 : vector<16xf32>
    %mul3A_669 = arith.mulf %mul3A_660, %sub3A_668 : vector<16xf32>
    %bitcast3A_670 = vector.bitcast %select_n3A_84 : vector<16xf32> to vector<16xi32>
    %shift_right_arithmetic3A_671 = arith.constant 1 : i32
    %shift_right_arithmetic3A_672 = vector.broadcast %shift_right_arithmetic3A_671 : i32 to vector<16xi32>
    %shift_right_arithmetic3A_673 = arith.shrsi %bitcast3A_670, %shift_right_arithmetic3A_672 : vector<16xi32>
    %sub3A_674 = arith.constant 1597463007 : i32
    %sub3A_675 = vector.broadcast %sub3A_674 : i32 to vector<16xi32>
    %sub3A_676 = arith.subi %sub3A_675, %shift_right_arithmetic3A_673 : vector<16xi32>
    %bitcast3A_677 = vector.bitcast %sub3A_676 : vector<16xi32> to vector<16xf32>
    %mul3A_678 = arith.constant 5.000000e-01 : f32
    %mul3A_679 = vector.broadcast %mul3A_678 : f32 to vector<16xf32>
    %mul3A_680 = arith.mulf %mul3A_679, %select_n3A_84 : vector<16xf32>
    %mul3A_681 = arith.mulf %mul3A_680, %bitcast3A_677 : vector<16xf32>
    %mul3A_682 = arith.mulf %mul3A_681, %bitcast3A_677 : vector<16xf32>
    %sub3A_683 = arith.constant 1.500000e+00 : f32
    %sub3A_684 = vector.broadcast %sub3A_683 : f32 to vector<16xf32>
    %sub3A_685 = arith.subf %sub3A_684, %mul3A_682 : vector<16xf32>
    %mul3A_686 = arith.mulf %bitcast3A_677, %sub3A_685 : vector<16xf32>
    %mul3A_687 = arith.constant 5.000000e-01 : f32
    %mul3A_688 = vector.broadcast %mul3A_687 : f32 to vector<16xf32>
    %mul3A_689 = arith.mulf %mul3A_688, %select_n3A_84 : vector<16xf32>
    %mul3A_690 = arith.mulf %mul3A_689, %mul3A_686 : vector<16xf32>
    %mul3A_691 = arith.mulf %mul3A_690, %mul3A_686 : vector<16xf32>
    %sub3A_692 = arith.constant 1.500000e+00 : f32
    %sub3A_693 = vector.broadcast %sub3A_692 : f32 to vector<16xf32>
    %sub3A_694 = arith.subf %sub3A_693, %mul3A_691 : vector<16xf32>
    %mul3A_695 = arith.mulf %mul3A_686, %sub3A_694 : vector<16xf32>
    %mul3A_696 = arith.constant 5.000000e-01 : f32
    %mul3A_697 = vector.broadcast %mul3A_696 : f32 to vector<16xf32>
    %mul3A_698 = arith.mulf %mul3A_697, %select_n3A_84 : vector<16xf32>
    %mul3A_699 = arith.mulf %mul3A_698, %mul3A_695 : vector<16xf32>
    %mul3A_700 = arith.mulf %mul3A_699, %mul3A_695 : vector<16xf32>
    %sub3A_701 = arith.constant 1.500000e+00 : f32
    %sub3A_702 = vector.broadcast %sub3A_701 : f32 to vector<16xf32>
    %sub3A_703 = arith.subf %sub3A_702, %mul3A_700 : vector<16xf32>
    %mul3A_704 = arith.mulf %mul3A_695, %sub3A_703 : vector<16xf32>
    %mul3A_705 = arith.mulf %select_n3A_84, %mul3A_704 : vector<16xf32>
    %bitcast3A_706 = vector.bitcast %mul3A_366 : vector<16xf32> to vector<16xi32>
    %shift_right_arithmetic3A_707 = arith.constant 1 : i32
    %shift_right_arithmetic3A_708 = vector.broadcast %shift_right_arithmetic3A_707 : i32 to vector<16xi32>
    %shift_right_arithmetic3A_709 = arith.shrsi %bitcast3A_706, %shift_right_arithmetic3A_708 : vector<16xi32>
    %sub3A_710 = arith.constant 1597463007 : i32
    %sub3A_711 = vector.broadcast %sub3A_710 : i32 to vector<16xi32>
    %sub3A_712 = arith.subi %sub3A_711, %shift_right_arithmetic3A_709 : vector<16xi32>
    %bitcast3A_713 = vector.bitcast %sub3A_712 : vector<16xi32> to vector<16xf32>
    %mul3A_714 = arith.constant 5.000000e-01 : f32
    %mul3A_715 = vector.broadcast %mul3A_714 : f32 to vector<16xf32>
    %mul3A_716 = arith.mulf %mul3A_715, %mul3A_366 : vector<16xf32>
    %mul3A_717 = arith.mulf %mul3A_716, %bitcast3A_713 : vector<16xf32>
    %mul3A_718 = arith.mulf %mul3A_717, %bitcast3A_713 : vector<16xf32>
    %sub3A_719 = arith.constant 1.500000e+00 : f32
    %sub3A_720 = vector.broadcast %sub3A_719 : f32 to vector<16xf32>
    %sub3A_721 = arith.subf %sub3A_720, %mul3A_718 : vector<16xf32>
    %mul3A_722 = arith.mulf %bitcast3A_713, %sub3A_721 : vector<16xf32>
    %mul3A_723 = arith.constant 5.000000e-01 : f32
    %mul3A_724 = vector.broadcast %mul3A_723 : f32 to vector<16xf32>
    %mul3A_725 = arith.mulf %mul3A_724, %mul3A_366 : vector<16xf32>
    %mul3A_726 = arith.mulf %mul3A_725, %mul3A_722 : vector<16xf32>
    %mul3A_727 = arith.mulf %mul3A_726, %mul3A_722 : vector<16xf32>
    %sub3A_728 = arith.constant 1.500000e+00 : f32
    %sub3A_729 = vector.broadcast %sub3A_728 : f32 to vector<16xf32>
    %sub3A_730 = arith.subf %sub3A_729, %mul3A_727 : vector<16xf32>
    %mul3A_731 = arith.mulf %mul3A_722, %sub3A_730 : vector<16xf32>
    %mul3A_732 = arith.constant 5.000000e-01 : f32
    %mul3A_733 = vector.broadcast %mul3A_732 : f32 to vector<16xf32>
    %mul3A_734 = arith.mulf %mul3A_733, %mul3A_366 : vector<16xf32>
    %mul3A_735 = arith.mulf %mul3A_734, %mul3A_731 : vector<16xf32>
    %mul3A_736 = arith.mulf %mul3A_735, %mul3A_731 : vector<16xf32>
    %sub3A_737 = arith.constant 1.500000e+00 : f32
    %sub3A_738 = vector.broadcast %sub3A_737 : f32 to vector<16xf32>
    %sub3A_739 = arith.subf %sub3A_738, %mul3A_736 : vector<16xf32>
    %mul3A_740 = arith.mulf %mul3A_731, %sub3A_739 : vector<16xf32>
    %mul3A_741 = arith.mulf %mul3A_366, %mul3A_740 : vector<16xf32>
    %bitcast3A_742 = vector.bitcast %mul3A_368 : vector<16xf32> to vector<16xi32>
    %shift_right_arithmetic3A_743 = arith.constant 1 : i32
    %shift_right_arithmetic3A_744 = vector.broadcast %shift_right_arithmetic3A_743 : i32 to vector<16xi32>
    %shift_right_arithmetic3A_745 = arith.shrsi %bitcast3A_742, %shift_right_arithmetic3A_744 : vector<16xi32>
    %sub3A_746 = arith.constant 1597463007 : i32
    %sub3A_747 = vector.broadcast %sub3A_746 : i32 to vector<16xi32>
    %sub3A_748 = arith.subi %sub3A_747, %shift_right_arithmetic3A_745 : vector<16xi32>
    %bitcast3A_749 = vector.bitcast %sub3A_748 : vector<16xi32> to vector<16xf32>
    %mul3A_750 = arith.constant 5.000000e-01 : f32
    %mul3A_751 = vector.broadcast %mul3A_750 : f32 to vector<16xf32>
    %mul3A_752 = arith.mulf %mul3A_751, %mul3A_368 : vector<16xf32>
    %mul3A_753 = arith.mulf %mul3A_752, %bitcast3A_749 : vector<16xf32>
    %mul3A_754 = arith.mulf %mul3A_753, %bitcast3A_749 : vector<16xf32>
    %sub3A_755 = arith.constant 1.500000e+00 : f32
    %sub3A_756 = vector.broadcast %sub3A_755 : f32 to vector<16xf32>
    %sub3A_757 = arith.subf %sub3A_756, %mul3A_754 : vector<16xf32>
    %mul3A_758 = arith.mulf %bitcast3A_749, %sub3A_757 : vector<16xf32>
    %mul3A_759 = arith.constant 5.000000e-01 : f32
    %mul3A_760 = vector.broadcast %mul3A_759 : f32 to vector<16xf32>
    %mul3A_761 = arith.mulf %mul3A_760, %mul3A_368 : vector<16xf32>
    %mul3A_762 = arith.mulf %mul3A_761, %mul3A_758 : vector<16xf32>
    %mul3A_763 = arith.mulf %mul3A_762, %mul3A_758 : vector<16xf32>
    %sub3A_764 = arith.constant 1.500000e+00 : f32
    %sub3A_765 = vector.broadcast %sub3A_764 : f32 to vector<16xf32>
    %sub3A_766 = arith.subf %sub3A_765, %mul3A_763 : vector<16xf32>
    %mul3A_767 = arith.mulf %mul3A_758, %sub3A_766 : vector<16xf32>
    %mul3A_768 = arith.constant 5.000000e-01 : f32
    %mul3A_769 = vector.broadcast %mul3A_768 : f32 to vector<16xf32>
    %mul3A_770 = arith.mulf %mul3A_769, %mul3A_368 : vector<16xf32>
    %mul3A_771 = arith.mulf %mul3A_770, %mul3A_767 : vector<16xf32>
    %mul3A_772 = arith.mulf %mul3A_771, %mul3A_767 : vector<16xf32>
    %sub3A_773 = arith.constant 1.500000e+00 : f32
    %sub3A_774 = vector.broadcast %sub3A_773 : f32 to vector<16xf32>
    %sub3A_775 = arith.subf %sub3A_774, %mul3A_772 : vector<16xf32>
    %mul3A_776 = arith.mulf %mul3A_767, %sub3A_775 : vector<16xf32>
    %mul3A_777 = arith.mulf %mul3A_368, %mul3A_776 : vector<16xf32>
    %bitcast3A_778 = vector.bitcast %mul3A_370 : vector<16xf32> to vector<16xi32>
    %shift_right_arithmetic3A_779 = arith.constant 1 : i32
    %shift_right_arithmetic3A_780 = vector.broadcast %shift_right_arithmetic3A_779 : i32 to vector<16xi32>
    %shift_right_arithmetic3A_781 = arith.shrsi %bitcast3A_778, %shift_right_arithmetic3A_780 : vector<16xi32>
    %sub3A_782 = arith.constant 1597463007 : i32
    %sub3A_783 = vector.broadcast %sub3A_782 : i32 to vector<16xi32>
    %sub3A_784 = arith.subi %sub3A_783, %shift_right_arithmetic3A_781 : vector<16xi32>
    %bitcast3A_785 = vector.bitcast %sub3A_784 : vector<16xi32> to vector<16xf32>
    %mul3A_786 = arith.constant 5.000000e-01 : f32
    %mul3A_787 = vector.broadcast %mul3A_786 : f32 to vector<16xf32>
    %mul3A_788 = arith.mulf %mul3A_787, %mul3A_370 : vector<16xf32>
    %mul3A_789 = arith.mulf %mul3A_788, %bitcast3A_785 : vector<16xf32>
    %mul3A_790 = arith.mulf %mul3A_789, %bitcast3A_785 : vector<16xf32>
    %sub3A_791 = arith.constant 1.500000e+00 : f32
    %sub3A_792 = vector.broadcast %sub3A_791 : f32 to vector<16xf32>
    %sub3A_793 = arith.subf %sub3A_792, %mul3A_790 : vector<16xf32>
    %mul3A_794 = arith.mulf %bitcast3A_785, %sub3A_793 : vector<16xf32>
    %mul3A_795 = arith.constant 5.000000e-01 : f32
    %mul3A_796 = vector.broadcast %mul3A_795 : f32 to vector<16xf32>
    %mul3A_797 = arith.mulf %mul3A_796, %mul3A_370 : vector<16xf32>
    %mul3A_798 = arith.mulf %mul3A_797, %mul3A_794 : vector<16xf32>
    %mul3A_799 = arith.mulf %mul3A_798, %mul3A_794 : vector<16xf32>
    %sub3A_800 = arith.constant 1.500000e+00 : f32
    %sub3A_801 = vector.broadcast %sub3A_800 : f32 to vector<16xf32>
    %sub3A_802 = arith.subf %sub3A_801, %mul3A_799 : vector<16xf32>
    %mul3A_803 = arith.mulf %mul3A_794, %sub3A_802 : vector<16xf32>
    %mul3A_804 = arith.constant 5.000000e-01 : f32
    %mul3A_805 = vector.broadcast %mul3A_804 : f32 to vector<16xf32>
    %mul3A_806 = arith.mulf %mul3A_805, %mul3A_370 : vector<16xf32>
    %mul3A_807 = arith.mulf %mul3A_806, %mul3A_803 : vector<16xf32>
    %mul3A_808 = arith.mulf %mul3A_807, %mul3A_803 : vector<16xf32>
    %sub3A_809 = arith.constant 1.500000e+00 : f32
    %sub3A_810 = vector.broadcast %sub3A_809 : f32 to vector<16xf32>
    %sub3A_811 = arith.subf %sub3A_810, %mul3A_808 : vector<16xf32>
    %mul3A_812 = arith.mulf %mul3A_803, %sub3A_811 : vector<16xf32>
    %mul3A_813 = arith.mulf %mul3A_370, %mul3A_812 : vector<16xf32>
    %barrier3A = arith.constant 0 : index
    tpu.barrier barrier_id(%barrier3A)
    "tpu.region"() ({
      %run_scoped3A = tpu.sem_alloc : memref<!tpu.dma_semaphore, #tpu.memory_space<semaphore_mem>>
      tpu.enqueue_dma source(%arg12 : memref<256xf32, #tpu.memory_space<vmem_shared>>) target(%arg7 : memref<256xf32, #tpu.memory_space<vmem>>) target_semaphore(%run_scoped3A : memref<!tpu.dma_semaphore, #tpu.memory_space<semaphore_mem>>)
      tpu.wait_dma2 semaphore(%run_scoped3A : memref<!tpu.dma_semaphore, #tpu.memory_space<semaphore_mem>>) src(%arg12 : memref<256xf32, #tpu.memory_space<vmem_shared>>) dst(%arg7 : memref<256xf32, #tpu.memory_space<vmem>>)
      tpu.yield
    }) : () -> ()
    %mul3A_814 = arith.constant 16 : i32
    %mul3A_815 = vector.broadcast %mul3A_814 : i32 to vector<16xi32>
    %mul3A_816 = arith.muli %iota3A, %mul3A_815 : vector<16xi32>
    %gather3A_817 = tpu.vector_load_idx %arg7[%mul3A_816] : memref<256xf32, #tpu.memory_space<vmem>>[vector<16xi32>], vector<16xf32>,
    %swap3A_818 = arith.constant 0 : index
    %swap3A_819 = tpu.vector_load %arg6[%swap3A_818] {strides = array<i32>} : memref<80xf32, #tpu.memory_space<vmem>>, vector<16xf32>,
    tpu.vector_store %arg6[%swap3A_818], %gather3A_817 {strides = array<i32>} : memref<80xf32, #tpu.memory_space<vmem>>, vector<16xf32>,
    %sub3A_820 = arith.constant 1 : i32
    %sub3A_821 = vector.broadcast %sub3A_820 : i32 to vector<16xi32>
    %sub3A_822 = arith.subi %iota3A, %sub3A_821 : vector<16xi32>
    %max3A_823 = arith.constant 0 : i32
    %max3A_824 = vector.broadcast %max3A_823 : i32 to vector<16xi32>
    %max3A_825 = arith.maxsi %sub3A_822, %max3A_824 : vector<16xi32>
    %add3A_826 = arith.constant 0 : i32
    %add3A_827 = vector.broadcast %add3A_826 : i32 to vector<16xi32>
    %add3A_828 = arith.addi %add3A_827, %max3A_825 : vector<16xi32>
    %gather3A_829 = tpu.vector_load_idx %arg6[%add3A_828] : memref<80xf32, #tpu.memory_space<vmem>>[vector<16xi32>], vector<16xf32>,
    %ge3A_830 = arith.constant 1 : i32
    %ge3A_831 = vector.broadcast %ge3A_830 : i32 to vector<16xi32>
    %ge3A_832 = arith.cmpi sge, %iota3A, %ge3A_831 : vector<16xi32>
    %mul3A_833 = arith.mulf %gather3A_817, %gather3A_829 : vector<16xf32>
    %select_n3A_834 = arith.select %ge3A_832, %mul3A_833, %gather3A_817 : vector<16xi1>, vector<16xf32>
    %swap3A_835 = arith.constant 0 : index
    %swap3A_836 = tpu.vector_load %arg6[%swap3A_835] {strides = array<i32>} : memref<80xf32, #tpu.memory_space<vmem>>, vector<16xf32>,
    tpu.vector_store %arg6[%swap3A_835], %select_n3A_834 {strides = array<i32>} : memref<80xf32, #tpu.memory_space<vmem>>, vector<16xf32>,
    %sub3A_837 = arith.constant 2 : i32
    %sub3A_838 = vector.broadcast %sub3A_837 : i32 to vector<16xi32>
    %sub3A_839 = arith.subi %iota3A, %sub3A_838 : vector<16xi32>
    %max3A_840 = arith.constant 0 : i32
    %max3A_841 = vector.broadcast %max3A_840 : i32 to vector<16xi32>
    %max3A_842 = arith.maxsi %sub3A_839, %max3A_841 : vector<16xi32>
    %add3A_843 = arith.constant 0 : i32
    %add3A_844 = vector.broadcast %add3A_843 : i32 to vector<16xi32>
    %add3A_845 = arith.addi %add3A_844, %max3A_842 : vector<16xi32>
    %gather3A_846 = tpu.vector_load_idx %arg6[%add3A_845] : memref<80xf32, #tpu.memory_space<vmem>>[vector<16xi32>], vector<16xf32>,
    %ge3A_847 = arith.constant 2 : i32
    %ge3A_848 = vector.broadcast %ge3A_847 : i32 to vector<16xi32>
    %ge3A_849 = arith.cmpi sge, %iota3A, %ge3A_848 : vector<16xi32>
    %mul3A_850 = arith.mulf %select_n3A_834, %gather3A_846 : vector<16xf32>
    %select_n3A_851 = arith.select %ge3A_849, %mul3A_850, %select_n3A_834 : vector<16xi1>, vector<16xf32>
    %swap3A_852 = arith.constant 0 : index
    %swap3A_853 = tpu.vector_load %arg6[%swap3A_852] {strides = array<i32>} : memref<80xf32, #tpu.memory_space<vmem>>, vector<16xf32>,
    tpu.vector_store %arg6[%swap3A_852], %select_n3A_851 {strides = array<i32>} : memref<80xf32, #tpu.memory_space<vmem>>, vector<16xf32>,
    %sub3A_854 = arith.constant 4 : i32
    %sub3A_855 = vector.broadcast %sub3A_854 : i32 to vector<16xi32>
    %sub3A_856 = arith.subi %iota3A, %sub3A_855 : vector<16xi32>
    %max3A_857 = arith.constant 0 : i32
    %max3A_858 = vector.broadcast %max3A_857 : i32 to vector<16xi32>
    %max3A_859 = arith.maxsi %sub3A_856, %max3A_858 : vector<16xi32>
    %add3A_860 = arith.constant 0 : i32
    %add3A_861 = vector.broadcast %add3A_860 : i32 to vector<16xi32>
    %add3A_862 = arith.addi %add3A_861, %max3A_859 : vector<16xi32>
    %gather3A_863 = tpu.vector_load_idx %arg6[%add3A_862] : memref<80xf32, #tpu.memory_space<vmem>>[vector<16xi32>], vector<16xf32>,
    %ge3A_864 = arith.constant 4 : i32
    %ge3A_865 = vector.broadcast %ge3A_864 : i32 to vector<16xi32>
    %ge3A_866 = arith.cmpi sge, %iota3A, %ge3A_865 : vector<16xi32>
    %mul3A_867 = arith.mulf %select_n3A_851, %gather3A_863 : vector<16xf32>
    %select_n3A_868 = arith.select %ge3A_866, %mul3A_867, %select_n3A_851 : vector<16xi1>, vector<16xf32>
    %swap3A_869 = arith.constant 0 : index
    %swap3A_870 = tpu.vector_load %arg6[%swap3A_869] {strides = array<i32>} : memref<80xf32, #tpu.memory_space<vmem>>, vector<16xf32>,
    tpu.vector_store %arg6[%swap3A_869], %select_n3A_868 {strides = array<i32>} : memref<80xf32, #tpu.memory_space<vmem>>, vector<16xf32>,
    %sub3A_871 = arith.constant 8 : i32
    %sub3A_872 = vector.broadcast %sub3A_871 : i32 to vector<16xi32>
    %sub3A_873 = arith.subi %iota3A, %sub3A_872 : vector<16xi32>
    %max3A_874 = arith.constant 0 : i32
    %max3A_875 = vector.broadcast %max3A_874 : i32 to vector<16xi32>
    %max3A_876 = arith.maxsi %sub3A_873, %max3A_875 : vector<16xi32>
    %add3A_877 = arith.constant 0 : i32
    %add3A_878 = vector.broadcast %add3A_877 : i32 to vector<16xi32>
    %add3A_879 = arith.addi %add3A_878, %max3A_876 : vector<16xi32>
    %gather3A_880 = tpu.vector_load_idx %arg6[%add3A_879] : memref<80xf32, #tpu.memory_space<vmem>>[vector<16xi32>], vector<16xf32>,
    %ge3A_881 = arith.constant 8 : i32
    %ge3A_882 = vector.broadcast %ge3A_881 : i32 to vector<16xi32>
    %ge3A_883 = arith.cmpi sge, %iota3A, %ge3A_882 : vector<16xi32>
    %mul3A_884 = arith.mulf %select_n3A_868, %gather3A_880 : vector<16xf32>
    %select_n3A_885 = arith.select %ge3A_883, %mul3A_884, %select_n3A_868 : vector<16xi1>, vector<16xf32>
    %sub3A_886 = arith.constant 1 : i32
    %sub3A_887 = arith.subi %arg1, %sub3A_886 : i32
    %max3A_888 = arith.constant 0 : i32
    %max3A_889 = arith.maxsi %sub3A_887, %max3A_888 : i32
    %swap3A_890 = arith.constant 0 : index
    %swap3A_891 = tpu.vector_load %arg6[%swap3A_890] {strides = array<i32>} : memref<80xf32, #tpu.memory_space<vmem>>, vector<16xf32>,
    tpu.vector_store %arg6[%swap3A_890], %select_n3A_885 {strides = array<i32>} : memref<80xf32, #tpu.memory_space<vmem>>, vector<16xf32>,
    %broadcast_in_dim3A_892 = arith.constant 0 : i32
    %broadcast_in_dim3A_893 = vector.broadcast %broadcast_in_dim3A_892 : i32 to vector<16xi32>
    %add3A_894 = vector.broadcast %max3A_889 : i32 to vector<16xi32>
    %add3A_895 = arith.addi %broadcast_in_dim3A_893, %add3A_894 : vector<16xi32>
    %gather3A_896 = tpu.vector_load_idx %arg6[%add3A_895] : memref<80xf32, #tpu.memory_space<vmem>>[vector<16xi32>], vector<16xf32>,
    %broadcast_in_dim3A_897 = vector.broadcast %arg1 : i32 to vector<16xi32>
    %eq3A_898 = arith.constant 0 : i32
    %eq3A_899 = vector.broadcast %eq3A_898 : i32 to vector<16xi32>
    %eq3A_900 = arith.cmpi eq, %broadcast_in_dim3A_897, %eq3A_899 : vector<16xi32>
    %jit3A_901 = arith.constant 1.000000e+00 : f32
    %broadcast_in_dim3A_902 = vector.broadcast %jit3A_901 : f32 to vector<16xf32>
    %select_n3A_903 = arith.select %eq3A_900, %broadcast_in_dim3A_902, %gather3A_896 : vector<16xi1>, vector<16xf32>
    %bitcast3A_904 = vector.bitcast %select_n3A_903 : vector<16xf32> to vector<16xi32>
    %shift_right_arithmetic3A_905 = arith.constant 1 : i32
    %shift_right_arithmetic3A_906 = vector.broadcast %shift_right_arithmetic3A_905 : i32 to vector<16xi32>
    %shift_right_arithmetic3A_907 = arith.shrsi %bitcast3A_904, %shift_right_arithmetic3A_906 : vector<16xi32>
    %sub3A_908 = arith.constant 1597463007 : i32
    %sub3A_909 = vector.broadcast %sub3A_908 : i32 to vector<16xi32>
    %sub3A_910 = arith.subi %sub3A_909, %shift_right_arithmetic3A_907 : vector<16xi32>
    %bitcast3A_911 = vector.bitcast %sub3A_910 : vector<16xi32> to vector<16xf32>
    %mul3A_912 = arith.constant 5.000000e-01 : f32
    %mul3A_913 = vector.broadcast %mul3A_912 : f32 to vector<16xf32>
    %mul3A_914 = arith.mulf %mul3A_913, %select_n3A_903 : vector<16xf32>
    %mul3A_915 = arith.mulf %mul3A_914, %bitcast3A_911 : vector<16xf32>
    %mul3A_916 = arith.mulf %mul3A_915, %bitcast3A_911 : vector<16xf32>
    %sub3A_917 = arith.constant 1.500000e+00 : f32
    %sub3A_918 = vector.broadcast %sub3A_917 : f32 to vector<16xf32>
    %sub3A_919 = arith.subf %sub3A_918, %mul3A_916 : vector<16xf32>
    %mul3A_920 = arith.mulf %bitcast3A_911, %sub3A_919 : vector<16xf32>
    %mul3A_921 = arith.constant 5.000000e-01 : f32
    %mul3A_922 = vector.broadcast %mul3A_921 : f32 to vector<16xf32>
    %mul3A_923 = arith.mulf %mul3A_922, %select_n3A_903 : vector<16xf32>
    %mul3A_924 = arith.mulf %mul3A_923, %mul3A_920 : vector<16xf32>
    %mul3A_925 = arith.mulf %mul3A_924, %mul3A_920 : vector<16xf32>
    %sub3A_926 = arith.constant 1.500000e+00 : f32
    %sub3A_927 = vector.broadcast %sub3A_926 : f32 to vector<16xf32>
    %sub3A_928 = arith.subf %sub3A_927, %mul3A_925 : vector<16xf32>
    %mul3A_929 = arith.mulf %mul3A_920, %sub3A_928 : vector<16xf32>
    %mul3A_930 = arith.constant 5.000000e-01 : f32
    %mul3A_931 = vector.broadcast %mul3A_930 : f32 to vector<16xf32>
    %mul3A_932 = arith.mulf %mul3A_931, %select_n3A_903 : vector<16xf32>
    %mul3A_933 = arith.mulf %mul3A_932, %mul3A_929 : vector<16xf32>
    %mul3A_934 = arith.mulf %mul3A_933, %mul3A_929 : vector<16xf32>
    %sub3A_935 = arith.constant 1.500000e+00 : f32
    %sub3A_936 = vector.broadcast %sub3A_935 : f32 to vector<16xf32>
    %sub3A_937 = arith.subf %sub3A_936, %mul3A_934 : vector<16xf32>
    %mul3A_938 = arith.mulf %mul3A_929, %sub3A_937 : vector<16xf32>
    %mul3A_939 = arith.mulf %select_n3A_903, %mul3A_938 : vector<16xf32>
    %mul3A_940 = arith.mulf %select_n3A_84, %select_n3A_903 : vector<16xf32>
    %sub3A_941 = arith.constant 1.000000e+00 : f32
    %sub3A_942 = vector.broadcast %sub3A_941 : f32 to vector<16xf32>
    %sub3A_943 = arith.subf %sub3A_942, %mul3A_940 : vector<16xf32>
    %max3A_944 = arith.constant 1.000000e-30 : f32
    %max3A_945 = vector.broadcast %max3A_944 : f32 to vector<16xf32>
    %max3A_946 = arith.maximumf %sub3A_943, %max3A_945 : vector<16xf32>
    %bitcast3A_947 = vector.bitcast %max3A_946 : vector<16xf32> to vector<16xi32>
    %shift_right_arithmetic3A_948 = arith.constant 1 : i32
    %shift_right_arithmetic3A_949 = vector.broadcast %shift_right_arithmetic3A_948 : i32 to vector<16xi32>
    %shift_right_arithmetic3A_950 = arith.shrsi %bitcast3A_947, %shift_right_arithmetic3A_949 : vector<16xi32>
    %sub3A_951 = arith.constant 1597463007 : i32
    %sub3A_952 = vector.broadcast %sub3A_951 : i32 to vector<16xi32>
    %sub3A_953 = arith.subi %sub3A_952, %shift_right_arithmetic3A_950 : vector<16xi32>
    %bitcast3A_954 = vector.bitcast %sub3A_953 : vector<16xi32> to vector<16xf32>
    %mul3A_955 = arith.constant 5.000000e-01 : f32
    %mul3A_956 = vector.broadcast %mul3A_955 : f32 to vector<16xf32>
    %mul3A_957 = arith.mulf %mul3A_956, %max3A_946 : vector<16xf32>
    %mul3A_958 = arith.mulf %mul3A_957, %bitcast3A_954 : vector<16xf32>
    %mul3A_959 = arith.mulf %mul3A_958, %bitcast3A_954 : vector<16xf32>
    %sub3A_960 = arith.constant 1.500000e+00 : f32
    %sub3A_961 = vector.broadcast %sub3A_960 : f32 to vector<16xf32>
    %sub3A_962 = arith.subf %sub3A_961, %mul3A_959 : vector<16xf32>
    %mul3A_963 = arith.mulf %bitcast3A_954, %sub3A_962 : vector<16xf32>
    %mul3A_964 = arith.constant 5.000000e-01 : f32
    %mul3A_965 = vector.broadcast %mul3A_964 : f32 to vector<16xf32>
    %mul3A_966 = arith.mulf %mul3A_965, %max3A_946 : vector<16xf32>
    %mul3A_967 = arith.mulf %mul3A_966, %mul3A_963 : vector<16xf32>
    %mul3A_968 = arith.mulf %mul3A_967, %mul3A_963 : vector<16xf32>
    %sub3A_969 = arith.constant 1.500000e+00 : f32
    %sub3A_970 = vector.broadcast %sub3A_969 : f32 to vector<16xf32>
    %sub3A_971 = arith.subf %sub3A_970, %mul3A_968 : vector<16xf32>
    %mul3A_972 = arith.mulf %mul3A_963, %sub3A_971 : vector<16xf32>
    %mul3A_973 = arith.constant 5.000000e-01 : f32
    %mul3A_974 = vector.broadcast %mul3A_973 : f32 to vector<16xf32>
    %mul3A_975 = arith.mulf %mul3A_974, %max3A_946 : vector<16xf32>
    %mul3A_976 = arith.mulf %mul3A_975, %mul3A_972 : vector<16xf32>
    %mul3A_977 = arith.mulf %mul3A_976, %mul3A_972 : vector<16xf32>
    %sub3A_978 = arith.constant 1.500000e+00 : f32
    %sub3A_979 = vector.broadcast %sub3A_978 : f32 to vector<16xf32>
    %sub3A_980 = arith.subf %sub3A_979, %mul3A_977 : vector<16xf32>
    %mul3A_981 = arith.mulf %mul3A_972, %sub3A_980 : vector<16xf32>
    %mul3A_982 = arith.mulf %mul3A_705, %mul3A_939 : vector<16xf32>
    %mul3A_983 = arith.mulf %sub3A_943, %mul3A_981 : vector<16xf32>
    %add3A_984 = arith.constant 0 : i32
    %add3A_985 = vector.broadcast %add3A_984 : i32 to vector<16xi32>
    %add3A_986 = arith.addi %iota3A, %add3A_985 : vector<16xi32>
    %mul3A_987 = arith.constant 6 : i32
    %mul3A_988 = vector.broadcast %mul3A_987 : i32 to vector<16xi32>
    %mul3A_989 = arith.muli %add3A_986, %mul3A_988 : vector<16xi32>
    %add3A_990 = arith.constant 0 : i32
    %add3A_991 = vector.broadcast %add3A_990 : i32 to vector<16xi32>
    %add3A_992 = arith.addi %mul3A_989, %add3A_991 : vector<16xi32>
    tpu.vector_store_idx %arg8[%add3A_992], %select_n3A : memref<384xf32, #tpu.memory_space<vmem>>[vector<16xi32>], vector<16xf32>,
    %add3A_993 = arith.constant 1 : i32
    %add3A_994 = vector.broadcast %add3A_993 : i32 to vector<16xi32>
    %add3A_995 = arith.addi %mul3A_989, %add3A_994 : vector<16xi32>
    tpu.vector_store_idx %arg8[%add3A_995], %mul3A_412 : memref<384xf32, #tpu.memory_space<vmem>>[vector<16xi32>], vector<16xf32>,
    %add3A_996 = arith.constant 2 : i32
    %add3A_997 = vector.broadcast %add3A_996 : i32 to vector<16xi32>
    %add3A_998 = arith.addi %mul3A_989, %add3A_997 : vector<16xi32>
    tpu.vector_store_idx %arg8[%add3A_998], %mul3A_940 : memref<384xf32, #tpu.memory_space<vmem>>[vector<16xi32>], vector<16xf32>,
    %add3A_999 = arith.constant 3 : i32
    %add3A_1000 = vector.broadcast %add3A_999 : i32 to vector<16xi32>
    %add3A_1001 = arith.addi %mul3A_989, %add3A_1000 : vector<16xi32>
    tpu.vector_store_idx %arg8[%add3A_1001], %mul3A_982 : memref<384xf32, #tpu.memory_space<vmem>>[vector<16xi32>], vector<16xf32>,
    %add3A_1002 = arith.constant 4 : i32
    %add3A_1003 = vector.broadcast %add3A_1002 : i32 to vector<16xi32>
    %add3A_1004 = arith.addi %mul3A_989, %add3A_1003 : vector<16xi32>
    tpu.vector_store_idx %arg8[%add3A_1004], %mul3A_983 : memref<384xf32, #tpu.memory_space<vmem>>[vector<16xi32>], vector<16xf32>,
    %add3A_1005 = arith.constant 5 : i32
    %add3A_1006 = vector.broadcast %add3A_1005 : i32 to vector<16xi32>
    %add3A_1007 = arith.addi %mul3A_989, %add3A_1006 : vector<16xi32>
    tpu.vector_store_idx %arg8[%add3A_1007], %mul3A_564 : memref<384xf32, #tpu.memory_space<vmem>>[vector<16xi32>], vector<16xf32>,
    %mul3A_1008 = arith.mulf %mul3A_366, %select_n3A_903 : vector<16xf32>
    %sub3A_1009 = arith.constant 1.000000e+00 : f32
    %sub3A_1010 = vector.broadcast %sub3A_1009 : f32 to vector<16xf32>
    %sub3A_1011 = arith.subf %sub3A_1010, %mul3A_1008 : vector<16xf32>
    %max3A_1012 = arith.constant 1.000000e-30 : f32
    %max3A_1013 = vector.broadcast %max3A_1012 : f32 to vector<16xf32>
    %max3A_1014 = arith.maximumf %sub3A_1011, %max3A_1013 : vector<16xf32>
    %bitcast3A_1015 = vector.bitcast %max3A_1014 : vector<16xf32> to vector<16xi32>
    %shift_right_arithmetic3A_1016 = arith.constant 1 : i32
    %shift_right_arithmetic3A_1017 = vector.broadcast %shift_right_arithmetic3A_1016 : i32 to vector<16xi32>
    %shift_right_arithmetic3A_1018 = arith.shrsi %bitcast3A_1015, %shift_right_arithmetic3A_1017 : vector<16xi32>
    %sub3A_1019 = arith.constant 1597463007 : i32
    %sub3A_1020 = vector.broadcast %sub3A_1019 : i32 to vector<16xi32>
    %sub3A_1021 = arith.subi %sub3A_1020, %shift_right_arithmetic3A_1018 : vector<16xi32>
    %bitcast3A_1022 = vector.bitcast %sub3A_1021 : vector<16xi32> to vector<16xf32>
    %mul3A_1023 = arith.constant 5.000000e-01 : f32
    %mul3A_1024 = vector.broadcast %mul3A_1023 : f32 to vector<16xf32>
    %mul3A_1025 = arith.mulf %mul3A_1024, %max3A_1014 : vector<16xf32>
    %mul3A_1026 = arith.mulf %mul3A_1025, %bitcast3A_1022 : vector<16xf32>
    %mul3A_1027 = arith.mulf %mul3A_1026, %bitcast3A_1022 : vector<16xf32>
    %sub3A_1028 = arith.constant 1.500000e+00 : f32
    %sub3A_1029 = vector.broadcast %sub3A_1028 : f32 to vector<16xf32>
    %sub3A_1030 = arith.subf %sub3A_1029, %mul3A_1027 : vector<16xf32>
    %mul3A_1031 = arith.mulf %bitcast3A_1022, %sub3A_1030 : vector<16xf32>
    %mul3A_1032 = arith.constant 5.000000e-01 : f32
    %mul3A_1033 = vector.broadcast %mul3A_1032 : f32 to vector<16xf32>
    %mul3A_1034 = arith.mulf %mul3A_1033, %max3A_1014 : vector<16xf32>
    %mul3A_1035 = arith.mulf %mul3A_1034, %mul3A_1031 : vector<16xf32>
    %mul3A_1036 = arith.mulf %mul3A_1035, %mul3A_1031 : vector<16xf32>
    %sub3A_1037 = arith.constant 1.500000e+00 : f32
    %sub3A_1038 = vector.broadcast %sub3A_1037 : f32 to vector<16xf32>
    %sub3A_1039 = arith.subf %sub3A_1038, %mul3A_1036 : vector<16xf32>
    %mul3A_1040 = arith.mulf %mul3A_1031, %sub3A_1039 : vector<16xf32>
    %mul3A_1041 = arith.constant 5.000000e-01 : f32
    %mul3A_1042 = vector.broadcast %mul3A_1041 : f32 to vector<16xf32>
    %mul3A_1043 = arith.mulf %mul3A_1042, %max3A_1014 : vector<16xf32>
    %mul3A_1044 = arith.mulf %mul3A_1043, %mul3A_1040 : vector<16xf32>
    %mul3A_1045 = arith.mulf %mul3A_1044, %mul3A_1040 : vector<16xf32>
    %sub3A_1046 = arith.constant 1.500000e+00 : f32
    %sub3A_1047 = vector.broadcast %sub3A_1046 : f32 to vector<16xf32>
    %sub3A_1048 = arith.subf %sub3A_1047, %mul3A_1045 : vector<16xf32>
    %mul3A_1049 = arith.mulf %mul3A_1040, %sub3A_1048 : vector<16xf32>
    %mul3A_1050 = arith.mulf %mul3A_741, %mul3A_939 : vector<16xf32>
    %mul3A_1051 = arith.mulf %sub3A_1011, %mul3A_1049 : vector<16xf32>
    %add3A_1052 = arith.constant 16 : i32
    %add3A_1053 = vector.broadcast %add3A_1052 : i32 to vector<16xi32>
    %add3A_1054 = arith.addi %iota3A, %add3A_1053 : vector<16xi32>
    %mul3A_1055 = arith.constant 6 : i32
    %mul3A_1056 = vector.broadcast %mul3A_1055 : i32 to vector<16xi32>
    %mul3A_1057 = arith.muli %add3A_1054, %mul3A_1056 : vector<16xi32>
    %add3A_1058 = arith.constant 0 : i32
    %add3A_1059 = vector.broadcast %add3A_1058 : i32 to vector<16xi32>
    %add3A_1060 = arith.addi %mul3A_1057, %add3A_1059 : vector<16xi32>
    tpu.vector_store_idx %arg8[%add3A_1060], %select_n3A_96 : memref<384xf32, #tpu.memory_space<vmem>>[vector<16xi32>], vector<16xf32>,
    %add3A_1061 = arith.constant 1 : i32
    %add3A_1062 = vector.broadcast %add3A_1061 : i32 to vector<16xi32>
    %add3A_1063 = arith.addi %mul3A_1057, %add3A_1062 : vector<16xi32>
    tpu.vector_store_idx %arg8[%add3A_1063], %mul3A_451 : memref<384xf32, #tpu.memory_space<vmem>>[vector<16xi32>], vector<16xf32>,
    %add3A_1064 = arith.constant 2 : i32
    %add3A_1065 = vector.broadcast %add3A_1064 : i32 to vector<16xi32>
    %add3A_1066 = arith.addi %mul3A_1057, %add3A_1065 : vector<16xi32>
    tpu.vector_store_idx %arg8[%add3A_1066], %mul3A_1008 : memref<384xf32, #tpu.memory_space<vmem>>[vector<16xi32>], vector<16xf32>,
    %add3A_1067 = arith.constant 3 : i32
    %add3A_1068 = vector.broadcast %add3A_1067 : i32 to vector<16xi32>
    %add3A_1069 = arith.addi %mul3A_1057, %add3A_1068 : vector<16xi32>
    tpu.vector_store_idx %arg8[%add3A_1069], %mul3A_1050 : memref<384xf32, #tpu.memory_space<vmem>>[vector<16xi32>], vector<16xf32>,
    %add3A_1070 = arith.constant 4 : i32
    %add3A_1071 = vector.broadcast %add3A_1070 : i32 to vector<16xi32>
    %add3A_1072 = arith.addi %mul3A_1057, %add3A_1071 : vector<16xi32>
    tpu.vector_store_idx %arg8[%add3A_1072], %mul3A_1051 : memref<384xf32, #tpu.memory_space<vmem>>[vector<16xi32>], vector<16xf32>,
    %add3A_1073 = arith.constant 5 : i32
    %add3A_1074 = vector.broadcast %add3A_1073 : i32 to vector<16xi32>
    %add3A_1075 = arith.addi %mul3A_1057, %add3A_1074 : vector<16xi32>
    tpu.vector_store_idx %arg8[%add3A_1075], %mul3A_599 : memref<384xf32, #tpu.memory_space<vmem>>[vector<16xi32>], vector<16xf32>,
    %mul3A_1076 = arith.mulf %mul3A_368, %select_n3A_903 : vector<16xf32>
    %sub3A_1077 = arith.constant 1.000000e+00 : f32
    %sub3A_1078 = vector.broadcast %sub3A_1077 : f32 to vector<16xf32>
    %sub3A_1079 = arith.subf %sub3A_1078, %mul3A_1076 : vector<16xf32>
    %max3A_1080 = arith.constant 1.000000e-30 : f32
    %max3A_1081 = vector.broadcast %max3A_1080 : f32 to vector<16xf32>
    %max3A_1082 = arith.maximumf %sub3A_1079, %max3A_1081 : vector<16xf32>
    %bitcast3A_1083 = vector.bitcast %max3A_1082 : vector<16xf32> to vector<16xi32>
    %shift_right_arithmetic3A_1084 = arith.constant 1 : i32
    %shift_right_arithmetic3A_1085 = vector.broadcast %shift_right_arithmetic3A_1084 : i32 to vector<16xi32>
    %shift_right_arithmetic3A_1086 = arith.shrsi %bitcast3A_1083, %shift_right_arithmetic3A_1085 : vector<16xi32>
    %sub3A_1087 = arith.constant 1597463007 : i32
    %sub3A_1088 = vector.broadcast %sub3A_1087 : i32 to vector<16xi32>
    %sub3A_1089 = arith.subi %sub3A_1088, %shift_right_arithmetic3A_1086 : vector<16xi32>
    %bitcast3A_1090 = vector.bitcast %sub3A_1089 : vector<16xi32> to vector<16xf32>
    %mul3A_1091 = arith.constant 5.000000e-01 : f32
    %mul3A_1092 = vector.broadcast %mul3A_1091 : f32 to vector<16xf32>
    %mul3A_1093 = arith.mulf %mul3A_1092, %max3A_1082 : vector<16xf32>
    %mul3A_1094 = arith.mulf %mul3A_1093, %bitcast3A_1090 : vector<16xf32>
    %mul3A_1095 = arith.mulf %mul3A_1094, %bitcast3A_1090 : vector<16xf32>
    %sub3A_1096 = arith.constant 1.500000e+00 : f32
    %sub3A_1097 = vector.broadcast %sub3A_1096 : f32 to vector<16xf32>
    %sub3A_1098 = arith.subf %sub3A_1097, %mul3A_1095 : vector<16xf32>
    %mul3A_1099 = arith.mulf %bitcast3A_1090, %sub3A_1098 : vector<16xf32>
    %mul3A_1100 = arith.constant 5.000000e-01 : f32
    %mul3A_1101 = vector.broadcast %mul3A_1100 : f32 to vector<16xf32>
    %mul3A_1102 = arith.mulf %mul3A_1101, %max3A_1082 : vector<16xf32>
    %mul3A_1103 = arith.mulf %mul3A_1102, %mul3A_1099 : vector<16xf32>
    %mul3A_1104 = arith.mulf %mul3A_1103, %mul3A_1099 : vector<16xf32>
    %sub3A_1105 = arith.constant 1.500000e+00 : f32
    %sub3A_1106 = vector.broadcast %sub3A_1105 : f32 to vector<16xf32>
    %sub3A_1107 = arith.subf %sub3A_1106, %mul3A_1104 : vector<16xf32>
    %mul3A_1108 = arith.mulf %mul3A_1099, %sub3A_1107 : vector<16xf32>
    %mul3A_1109 = arith.constant 5.000000e-01 : f32
    %mul3A_1110 = vector.broadcast %mul3A_1109 : f32 to vector<16xf32>
    %mul3A_1111 = arith.mulf %mul3A_1110, %max3A_1082 : vector<16xf32>
    %mul3A_1112 = arith.mulf %mul3A_1111, %mul3A_1108 : vector<16xf32>
    %mul3A_1113 = arith.mulf %mul3A_1112, %mul3A_1108 : vector<16xf32>
    %sub3A_1114 = arith.constant 1.500000e+00 : f32
    %sub3A_1115 = vector.broadcast %sub3A_1114 : f32 to vector<16xf32>
    %sub3A_1116 = arith.subf %sub3A_1115, %mul3A_1113 : vector<16xf32>
    %mul3A_1117 = arith.mulf %mul3A_1108, %sub3A_1116 : vector<16xf32>
    %mul3A_1118 = arith.mulf %mul3A_777, %mul3A_939 : vector<16xf32>
    %mul3A_1119 = arith.mulf %sub3A_1079, %mul3A_1117 : vector<16xf32>
    %add3A_1120 = arith.constant 32 : i32
    %add3A_1121 = vector.broadcast %add3A_1120 : i32 to vector<16xi32>
    %add3A_1122 = arith.addi %iota3A, %add3A_1121 : vector<16xi32>
    %mul3A_1123 = arith.constant 6 : i32
    %mul3A_1124 = vector.broadcast %mul3A_1123 : i32 to vector<16xi32>
    %mul3A_1125 = arith.muli %add3A_1122, %mul3A_1124 : vector<16xi32>
    %add3A_1126 = arith.constant 0 : i32
    %add3A_1127 = vector.broadcast %add3A_1126 : i32 to vector<16xi32>
    %add3A_1128 = arith.addi %mul3A_1125, %add3A_1127 : vector<16xi32>
    tpu.vector_store_idx %arg8[%add3A_1128], %select_n3A_179 : memref<384xf32, #tpu.memory_space<vmem>>[vector<16xi32>], vector<16xf32>,
    %add3A_1129 = arith.constant 1 : i32
    %add3A_1130 = vector.broadcast %add3A_1129 : i32 to vector<16xi32>
    %add3A_1131 = arith.addi %mul3A_1125, %add3A_1130 : vector<16xi32>
    tpu.vector_store_idx %arg8[%add3A_1131], %mul3A_490 : memref<384xf32, #tpu.memory_space<vmem>>[vector<16xi32>], vector<16xf32>,
    %add3A_1132 = arith.constant 2 : i32
    %add3A_1133 = vector.broadcast %add3A_1132 : i32 to vector<16xi32>
    %add3A_1134 = arith.addi %mul3A_1125, %add3A_1133 : vector<16xi32>
    tpu.vector_store_idx %arg8[%add3A_1134], %mul3A_1076 : memref<384xf32, #tpu.memory_space<vmem>>[vector<16xi32>], vector<16xf32>,
    %add3A_1135 = arith.constant 3 : i32
    %add3A_1136 = vector.broadcast %add3A_1135 : i32 to vector<16xi32>
    %add3A_1137 = arith.addi %mul3A_1125, %add3A_1136 : vector<16xi32>
    tpu.vector_store_idx %arg8[%add3A_1137], %mul3A_1118 : memref<384xf32, #tpu.memory_space<vmem>>[vector<16xi32>], vector<16xf32>,
    %add3A_1138 = arith.constant 4 : i32
    %add3A_1139 = vector.broadcast %add3A_1138 : i32 to vector<16xi32>
    %add3A_1140 = arith.addi %mul3A_1125, %add3A_1139 : vector<16xi32>
    tpu.vector_store_idx %arg8[%add3A_1140], %mul3A_1119 : memref<384xf32, #tpu.memory_space<vmem>>[vector<16xi32>], vector<16xf32>,
    %add3A_1141 = arith.constant 5 : i32
    %add3A_1142 = vector.broadcast %add3A_1141 : i32 to vector<16xi32>
    %add3A_1143 = arith.addi %mul3A_1125, %add3A_1142 : vector<16xi32>
    tpu.vector_store_idx %arg8[%add3A_1143], %mul3A_634 : memref<384xf32, #tpu.memory_space<vmem>>[vector<16xi32>], vector<16xf32>,
    %mul3A_1144 = arith.mulf %mul3A_370, %select_n3A_903 : vector<16xf32>
    %sub3A_1145 = arith.constant 1.000000e+00 : f32
    %sub3A_1146 = vector.broadcast %sub3A_1145 : f32 to vector<16xf32>
    %sub3A_1147 = arith.subf %sub3A_1146, %mul3A_1144 : vector<16xf32>
    %max3A_1148 = arith.constant 1.000000e-30 : f32
    %max3A_1149 = vector.broadcast %max3A_1148 : f32 to vector<16xf32>
    %max3A_1150 = arith.maximumf %sub3A_1147, %max3A_1149 : vector<16xf32>
    %bitcast3A_1151 = vector.bitcast %max3A_1150 : vector<16xf32> to vector<16xi32>
    %shift_right_arithmetic3A_1152 = arith.constant 1 : i32
    %shift_right_arithmetic3A_1153 = vector.broadcast %shift_right_arithmetic3A_1152 : i32 to vector<16xi32>
    %shift_right_arithmetic3A_1154 = arith.shrsi %bitcast3A_1151, %shift_right_arithmetic3A_1153 : vector<16xi32>
    %sub3A_1155 = arith.constant 1597463007 : i32
    %sub3A_1156 = vector.broadcast %sub3A_1155 : i32 to vector<16xi32>
    %sub3A_1157 = arith.subi %sub3A_1156, %shift_right_arithmetic3A_1154 : vector<16xi32>
    %bitcast3A_1158 = vector.bitcast %sub3A_1157 : vector<16xi32> to vector<16xf32>
    %mul3A_1159 = arith.constant 5.000000e-01 : f32
    %mul3A_1160 = vector.broadcast %mul3A_1159 : f32 to vector<16xf32>
    %mul3A_1161 = arith.mulf %mul3A_1160, %max3A_1150 : vector<16xf32>
    %mul3A_1162 = arith.mulf %mul3A_1161, %bitcast3A_1158 : vector<16xf32>
    %mul3A_1163 = arith.mulf %mul3A_1162, %bitcast3A_1158 : vector<16xf32>
    %sub3A_1164 = arith.constant 1.500000e+00 : f32
    %sub3A_1165 = vector.broadcast %sub3A_1164 : f32 to vector<16xf32>
    %sub3A_1166 = arith.subf %sub3A_1165, %mul3A_1163 : vector<16xf32>
    %mul3A_1167 = arith.mulf %bitcast3A_1158, %sub3A_1166 : vector<16xf32>
    %mul3A_1168 = arith.constant 5.000000e-01 : f32
    %mul3A_1169 = vector.broadcast %mul3A_1168 : f32 to vector<16xf32>
    %mul3A_1170 = arith.mulf %mul3A_1169, %max3A_1150 : vector<16xf32>
    %mul3A_1171 = arith.mulf %mul3A_1170, %mul3A_1167 : vector<16xf32>
    %mul3A_1172 = arith.mulf %mul3A_1171, %mul3A_1167 : vector<16xf32>
    %sub3A_1173 = arith.constant 1.500000e+00 : f32
    %sub3A_1174 = vector.broadcast %sub3A_1173 : f32 to vector<16xf32>
    %sub3A_1175 = arith.subf %sub3A_1174, %mul3A_1172 : vector<16xf32>
    %mul3A_1176 = arith.mulf %mul3A_1167, %sub3A_1175 : vector<16xf32>
    %mul3A_1177 = arith.constant 5.000000e-01 : f32
    %mul3A_1178 = vector.broadcast %mul3A_1177 : f32 to vector<16xf32>
    %mul3A_1179 = arith.mulf %mul3A_1178, %max3A_1150 : vector<16xf32>
    %mul3A_1180 = arith.mulf %mul3A_1179, %mul3A_1176 : vector<16xf32>
    %mul3A_1181 = arith.mulf %mul3A_1180, %mul3A_1176 : vector<16xf32>
    %sub3A_1182 = arith.constant 1.500000e+00 : f32
    %sub3A_1183 = vector.broadcast %sub3A_1182 : f32 to vector<16xf32>
    %sub3A_1184 = arith.subf %sub3A_1183, %mul3A_1181 : vector<16xf32>
    %mul3A_1185 = arith.mulf %mul3A_1176, %sub3A_1184 : vector<16xf32>
    %mul3A_1186 = arith.mulf %mul3A_813, %mul3A_939 : vector<16xf32>
    %mul3A_1187 = arith.mulf %sub3A_1147, %mul3A_1185 : vector<16xf32>
    %add3A_1188 = arith.constant 48 : i32
    %add3A_1189 = vector.broadcast %add3A_1188 : i32 to vector<16xi32>
    %add3A_1190 = arith.addi %iota3A, %add3A_1189 : vector<16xi32>
    %mul3A_1191 = arith.constant 6 : i32
    %mul3A_1192 = vector.broadcast %mul3A_1191 : i32 to vector<16xi32>
    %mul3A_1193 = arith.muli %add3A_1190, %mul3A_1192 : vector<16xi32>
    %add3A_1194 = arith.constant 0 : i32
    %add3A_1195 = vector.broadcast %add3A_1194 : i32 to vector<16xi32>
    %add3A_1196 = arith.addi %mul3A_1193, %add3A_1195 : vector<16xi32>
    tpu.vector_store_idx %arg8[%add3A_1196], %select_n3A_262 : memref<384xf32, #tpu.memory_space<vmem>>[vector<16xi32>], vector<16xf32>,
    %add3A_1197 = arith.constant 1 : i32
    %add3A_1198 = vector.broadcast %add3A_1197 : i32 to vector<16xi32>
    %add3A_1199 = arith.addi %mul3A_1193, %add3A_1198 : vector<16xi32>
    tpu.vector_store_idx %arg8[%add3A_1199], %mul3A_529 : memref<384xf32, #tpu.memory_space<vmem>>[vector<16xi32>], vector<16xf32>,
    %add3A_1200 = arith.constant 2 : i32
    %add3A_1201 = vector.broadcast %add3A_1200 : i32 to vector<16xi32>
    %add3A_1202 = arith.addi %mul3A_1193, %add3A_1201 : vector<16xi32>
    tpu.vector_store_idx %arg8[%add3A_1202], %mul3A_1144 : memref<384xf32, #tpu.memory_space<vmem>>[vector<16xi32>], vector<16xf32>,
    %add3A_1203 = arith.constant 3 : i32
    %add3A_1204 = vector.broadcast %add3A_1203 : i32 to vector<16xi32>
    %add3A_1205 = arith.addi %mul3A_1193, %add3A_1204 : vector<16xi32>
    tpu.vector_store_idx %arg8[%add3A_1205], %mul3A_1186 : memref<384xf32, #tpu.memory_space<vmem>>[vector<16xi32>], vector<16xf32>,
    %add3A_1206 = arith.constant 4 : i32
    %add3A_1207 = vector.broadcast %add3A_1206 : i32 to vector<16xi32>
    %add3A_1208 = arith.addi %mul3A_1193, %add3A_1207 : vector<16xi32>
    tpu.vector_store_idx %arg8[%add3A_1208], %mul3A_1187 : memref<384xf32, #tpu.memory_space<vmem>>[vector<16xi32>], vector<16xf32>,
    %add3A_1209 = arith.constant 5 : i32
    %add3A_1210 = vector.broadcast %add3A_1209 : i32 to vector<16xi32>
    %add3A_1211 = arith.addi %mul3A_1193, %add3A_1210 : vector<16xi32>
    tpu.vector_store_idx %arg8[%add3A_1211], %mul3A_669 : memref<384xf32, #tpu.memory_space<vmem>>[vector<16xi32>], vector<16xf32>,
    %mul3A_1212 = arith.constant 6 : i32
    %mul3A_1213 = arith.muli %mul3A_5, %mul3A_1212 : i32
    "tpu.region"() ({
      %run_scoped3A = tpu.sem_alloc : memref<!tpu.dma_semaphore, #tpu.memory_space<semaphore_mem>>
      %dma_start3A_1338 = tpu.memref_slice %arg13[%mul3A_1213] : memref<6144xf32, #tpu.memory_space<vmem_shared>> -> memref<384xf32, #tpu.memory_space<vmem_shared>>
      %dma_start3A_1339 = tpu.memref_slice %arg13[%mul3A_1213] : memref<6144xf32, #tpu.memory_space<vmem_shared>> -> memref<384xf32, #tpu.memory_space<vmem_shared>>
      tpu.enqueue_dma source(%arg8 : memref<384xf32, #tpu.memory_space<vmem>>) target(%dma_start3A_1339 : memref<384xf32, #tpu.memory_space<vmem_shared>>) target_semaphore(%run_scoped3A : memref<!tpu.dma_semaphore, #tpu.memory_space<semaphore_mem>>)
      %dma_wait3A_1340 = tpu.memref_slice %arg13[%mul3A_1213] : memref<6144xf32, #tpu.memory_space<vmem_shared>> -> memref<384xf32, #tpu.memory_space<vmem_shared>>
      %dma_wait3A_1341 = tpu.memref_slice %arg13[%mul3A_1213] : memref<6144xf32, #tpu.memory_space<vmem_shared>> -> memref<384xf32, #tpu.memory_space<vmem_shared>>
      tpu.wait_dma2 semaphore(%run_scoped3A : memref<!tpu.dma_semaphore, #tpu.memory_space<semaphore_mem>>) src(%arg8 : memref<384xf32, #tpu.memory_space<vmem>>) dst(%dma_wait3A_1341 : memref<384xf32, #tpu.memory_space<vmem_shared>>)
      tpu.yield
    }) : () -> ()
    %barrier3A_1214 = arith.constant 0 : index
    tpu.barrier barrier_id(%barrier3A_1214)
    "tpu.region"() ({
      %run_scoped3A = tpu.sem_alloc : memref<!tpu.dma_semaphore, #tpu.memory_space<semaphore_mem>>
      tpu.enqueue_dma source(%arg13 : memref<6144xf32, #tpu.memory_space<vmem_shared>>) target(%arg9 : memref<6144xf32, #tpu.memory_space<vmem>>) target_semaphore(%run_scoped3A : memref<!tpu.dma_semaphore, #tpu.memory_space<semaphore_mem>>)
      tpu.wait_dma2 semaphore(%run_scoped3A : memref<!tpu.dma_semaphore, #tpu.memory_space<semaphore_mem>>) src(%arg13 : memref<6144xf32, #tpu.memory_space<vmem_shared>>) dst(%arg9 : memref<6144xf32, #tpu.memory_space<vmem>>)
      tpu.yield
    }) : () -> ()
    %dma_wait3A = tpu.memref_slice %arg3[%mul3A_2] : memref<16384xi32, #tpu.memory_space<hbm>> -> memref<1024xi32, #tpu.memory_space<hbm>>
    %dma_wait3A_1215 = tpu.memref_slice %arg3[%mul3A_2] : memref<16384xi32, #tpu.memory_space<hbm>> -> memref<1024xi32, #tpu.memory_space<hbm>>
    tpu.wait_dma2 semaphore(%arg14 : memref<!tpu.dma_semaphore, #tpu.memory_space<semaphore_mem>>) src(%dma_wait3A_1215 : memref<1024xi32, #tpu.memory_space<hbm>>) dst(%arg10 : memref<1024xi32, #tpu.memory_space<vmem>>)
    %parallel_loop3A = arith.constant 0 : i32
    %parallel_loop3A_1216 = arith.constant 64 : i32
    %parallel_loop3A_1217 = arith.constant 1 : i32
    scf.for %parallel_loop3A_1338 = %parallel_loop3A to %parallel_loop3A_1216 step %parallel_loop3A_1217  : i32 {
      %parallel_loop3A_1339 = arith.constant 16 : i32
      %parallel_loop3A_1340 = arith.muli %parallel_loop3A_1338, %parallel_loop3A_1339 : i32
      %parallel_loop3A_1341 = arith.index_cast %parallel_loop3A_1340 : i32 to index
      %parallel_loop3A_1342 = tpu.vector_load %arg10[%parallel_loop3A_1341] {strides = array<i32>} : memref<1024xi32, #tpu.memory_space<vmem>>, vector<16xi32>,
      %parallel_loop3A_1343 = arith.constant 6 : i32
      %parallel_loop3A_1344 = vector.broadcast %parallel_loop3A_1343 : i32 to vector<16xi32>
      %parallel_loop3A_1345 = arith.muli %parallel_loop3A_1342, %parallel_loop3A_1344 : vector<16xi32>
      %parallel_loop3A_1346 = arith.constant 0 : i32
      %parallel_loop3A_1347 = vector.broadcast %parallel_loop3A_1346 : i32 to vector<16xi32>
      %parallel_loop3A_1348 = arith.addi %parallel_loop3A_1345, %parallel_loop3A_1347 : vector<16xi32>
      %parallel_loop3A_1349 = tpu.vector_load_idx %arg9[%parallel_loop3A_1348] : memref<6144xf32, #tpu.memory_space<vmem>>[vector<16xi32>], vector<16xf32>,
      %parallel_loop3A_1350 = arith.constant 16 : i32
      %parallel_loop3A_1351 = arith.muli %parallel_loop3A_1338, %parallel_loop3A_1350 : i32
      %parallel_loop3A_1352 = arith.constant 0 : i32
      %parallel_loop3A_1353 = arith.index_cast %parallel_loop3A_1352 : i32 to index
      %parallel_loop3A_1354 = arith.index_cast %parallel_loop3A_1351 : i32 to index
      %parallel_loop3A_1355 = tpu.vector_load %arg11[%parallel_loop3A_1353, %parallel_loop3A_1354] {strides = array<i32>} : memref<6x1024xf32, #tpu.memory_space<vmem>>, vector<16xf32>,
      tpu.vector_store %arg11[%parallel_loop3A_1353, %parallel_loop3A_1354], %parallel_loop3A_1349 {strides = array<i32>} : memref<6x1024xf32, #tpu.memory_space<vmem>>, vector<16xf32>,
      %parallel_loop3A_1356 = arith.constant 1 : i32
      %parallel_loop3A_1357 = vector.broadcast %parallel_loop3A_1356 : i32 to vector<16xi32>
      %parallel_loop3A_1358 = arith.addi %parallel_loop3A_1345, %parallel_loop3A_1357 : vector<16xi32>
      %parallel_loop3A_1359 = tpu.vector_load_idx %arg9[%parallel_loop3A_1358] : memref<6144xf32, #tpu.memory_space<vmem>>[vector<16xi32>], vector<16xf32>,
      %parallel_loop3A_1360 = arith.constant 16 : i32
      %parallel_loop3A_1361 = arith.muli %parallel_loop3A_1338, %parallel_loop3A_1360 : i32
      %parallel_loop3A_1362 = arith.constant 1 : i32
      %parallel_loop3A_1363 = arith.index_cast %parallel_loop3A_1362 : i32 to index
      %parallel_loop3A_1364 = arith.index_cast %parallel_loop3A_1361 : i32 to index
      %parallel_loop3A_1365 = tpu.vector_load %arg11[%parallel_loop3A_1363, %parallel_loop3A_1364] {strides = array<i32>} : memref<6x1024xf32, #tpu.memory_space<vmem>>, vector<16xf32>,
      tpu.vector_store %arg11[%parallel_loop3A_1363, %parallel_loop3A_1364], %parallel_loop3A_1359 {strides = array<i32>} : memref<6x1024xf32, #tpu.memory_space<vmem>>, vector<16xf32>,
      %parallel_loop3A_1366 = arith.constant 2 : i32
      %parallel_loop3A_1367 = vector.broadcast %parallel_loop3A_1366 : i32 to vector<16xi32>
      %parallel_loop3A_1368 = arith.addi %parallel_loop3A_1345, %parallel_loop3A_1367 : vector<16xi32>
      %parallel_loop3A_1369 = tpu.vector_load_idx %arg9[%parallel_loop3A_1368] : memref<6144xf32, #tpu.memory_space<vmem>>[vector<16xi32>], vector<16xf32>,
      %parallel_loop3A_1370 = arith.constant 16 : i32
      %parallel_loop3A_1371 = arith.muli %parallel_loop3A_1338, %parallel_loop3A_1370 : i32
      %parallel_loop3A_1372 = arith.constant 2 : i32
      %parallel_loop3A_1373 = arith.index_cast %parallel_loop3A_1372 : i32 to index
      %parallel_loop3A_1374 = arith.index_cast %parallel_loop3A_1371 : i32 to index
      %parallel_loop3A_1375 = tpu.vector_load %arg11[%parallel_loop3A_1373, %parallel_loop3A_1374] {strides = array<i32>} : memref<6x1024xf32, #tpu.memory_space<vmem>>, vector<16xf32>,
      tpu.vector_store %arg11[%parallel_loop3A_1373, %parallel_loop3A_1374], %parallel_loop3A_1369 {strides = array<i32>} : memref<6x1024xf32, #tpu.memory_space<vmem>>, vector<16xf32>,
      %parallel_loop3A_1376 = arith.constant 3 : i32
      %parallel_loop3A_1377 = vector.broadcast %parallel_loop3A_1376 : i32 to vector<16xi32>
      %parallel_loop3A_1378 = arith.addi %parallel_loop3A_1345, %parallel_loop3A_1377 : vector<16xi32>
      %parallel_loop3A_1379 = tpu.vector_load_idx %arg9[%parallel_loop3A_1378] : memref<6144xf32, #tpu.memory_space<vmem>>[vector<16xi32>], vector<16xf32>,
      %parallel_loop3A_1380 = arith.constant 16 : i32
      %parallel_loop3A_1381 = arith.muli %parallel_loop3A_1338, %parallel_loop3A_1380 : i32
      %parallel_loop3A_1382 = arith.constant 3 : i32
      %parallel_loop3A_1383 = arith.index_cast %parallel_loop3A_1382 : i32 to index
      %parallel_loop3A_1384 = arith.index_cast %parallel_loop3A_1381 : i32 to index
      %parallel_loop3A_1385 = tpu.vector_load %arg11[%parallel_loop3A_1383, %parallel_loop3A_1384] {strides = array<i32>} : memref<6x1024xf32, #tpu.memory_space<vmem>>, vector<16xf32>,
      tpu.vector_store %arg11[%parallel_loop3A_1383, %parallel_loop3A_1384], %parallel_loop3A_1379 {strides = array<i32>} : memref<6x1024xf32, #tpu.memory_space<vmem>>, vector<16xf32>,
      %parallel_loop3A_1386 = arith.constant 4 : i32
      %parallel_loop3A_1387 = vector.broadcast %parallel_loop3A_1386 : i32 to vector<16xi32>
      %parallel_loop3A_1388 = arith.addi %parallel_loop3A_1345, %parallel_loop3A_1387 : vector<16xi32>
      %parallel_loop3A_1389 = tpu.vector_load_idx %arg9[%parallel_loop3A_1388] : memref<6144xf32, #tpu.memory_space<vmem>>[vector<16xi32>], vector<16xf32>,
      %parallel_loop3A_1390 = arith.constant 16 : i32
      %parallel_loop3A_1391 = arith.muli %parallel_loop3A_1338, %parallel_loop3A_1390 : i32
      %parallel_loop3A_1392 = arith.constant 4 : i32
      %parallel_loop3A_1393 = arith.index_cast %parallel_loop3A_1392 : i32 to index
      %parallel_loop3A_1394 = arith.index_cast %parallel_loop3A_1391 : i32 to index
      %parallel_loop3A_1395 = tpu.vector_load %arg11[%parallel_loop3A_1393, %parallel_loop3A_1394] {strides = array<i32>} : memref<6x1024xf32, #tpu.memory_space<vmem>>, vector<16xf32>,
      tpu.vector_store %arg11[%parallel_loop3A_1393, %parallel_loop3A_1394], %parallel_loop3A_1389 {strides = array<i32>} : memref<6x1024xf32, #tpu.memory_space<vmem>>, vector<16xf32>,
      %parallel_loop3A_1396 = arith.constant 5 : i32
      %parallel_loop3A_1397 = vector.broadcast %parallel_loop3A_1396 : i32 to vector<16xi32>
      %parallel_loop3A_1398 = arith.addi %parallel_loop3A_1345, %parallel_loop3A_1397 : vector<16xi32>
      %parallel_loop3A_1399 = tpu.vector_load_idx %arg9[%parallel_loop3A_1398] : memref<6144xf32, #tpu.memory_space<vmem>>[vector<16xi32>], vector<16xf32>,
      %parallel_loop3A_1400 = arith.constant 16 : i32
      %parallel_loop3A_1401 = arith.muli %parallel_loop3A_1338, %parallel_loop3A_1400 : i32
      %parallel_loop3A_1402 = arith.constant 5 : i32
      %parallel_loop3A_1403 = arith.index_cast %parallel_loop3A_1402 : i32 to index
      %parallel_loop3A_1404 = arith.index_cast %parallel_loop3A_1401 : i32 to index
      %parallel_loop3A_1405 = tpu.vector_load %arg11[%parallel_loop3A_1403, %parallel_loop3A_1404] {strides = array<i32>} : memref<6x1024xf32, #tpu.memory_space<vmem>>, vector<16xf32>,
      tpu.vector_store %arg11[%parallel_loop3A_1403, %parallel_loop3A_1404], %parallel_loop3A_1399 {strides = array<i32>} : memref<6x1024xf32, #tpu.memory_space<vmem>>, vector<16xf32>,
    } {sc.loop_unroll_factor = 4 : i64, sc.parallel_access}
    %add3A_1218 = arith.constant 0 : i32
    %add3A_1219 = arith.addi %add3A_1218, %mul3A_2 : i32
    %dma_start3A_1220 = arith.constant 0 : i32
    %dma_start3A_1221 = arith.constant 0 : i32
    %dma_start3A_1222 = tpu.memref_slice %arg11[%dma_start3A_1220, %dma_start3A_1221] : memref<6x1024xf32, #tpu.memory_space<vmem>> -> memref<1x1024xf32, #tpu.memory_space<vmem>>
    %dma_start3A_1223 = tpu.memref_squeeze %dma_start3A_1222 : memref<1x1024xf32, #tpu.memory_space<vmem>> -> memref<1024xf32, #tpu.memory_space<vmem>>
    %dma_start3A_1224 = tpu.memref_slice %arg4[%add3A_1219] : memref<98304xf32, #tpu.memory_space<hbm>> -> memref<1024xf32, #tpu.memory_space<hbm>>
    %dma_start3A_1225 = tpu.memref_slice %arg4[%add3A_1219] : memref<98304xf32, #tpu.memory_space<hbm>> -> memref<1024xf32, #tpu.memory_space<hbm>>
    %dma_start3A_1226 = arith.constant 0 : i32
    %dma_start3A_1227 = tpu.memref_slice %arg11[%dma_start3A_1220, %dma_start3A_1226] : memref<6x1024xf32, #tpu.memory_space<vmem>> -> memref<1x1024xf32, #tpu.memory_space<vmem>>
    %dma_start3A_1228 = tpu.memref_squeeze %dma_start3A_1227 : memref<1x1024xf32, #tpu.memory_space<vmem>> -> memref<1024xf32, #tpu.memory_space<vmem>>
    tpu.enqueue_dma source(%dma_start3A_1228 : memref<1024xf32, #tpu.memory_space<vmem>>) target(%dma_start3A_1225 : memref<1024xf32, #tpu.memory_space<hbm>>) target_semaphore(%arg15 : memref<!tpu.dma_semaphore, #tpu.memory_space<semaphore_mem>>)
    %add3A_1229 = arith.constant 16384 : i32
    %add3A_1230 = arith.addi %add3A_1229, %mul3A_2 : i32
    %dma_start3A_1231 = arith.constant 1 : i32
    %dma_start3A_1232 = arith.constant 0 : i32
    %dma_start3A_1233 = tpu.memref_slice %arg11[%dma_start3A_1231, %dma_start3A_1232] : memref<6x1024xf32, #tpu.memory_space<vmem>> -> memref<1x1024xf32, #tpu.memory_space<vmem>>
    %dma_start3A_1234 = tpu.memref_squeeze %dma_start3A_1233 : memref<1x1024xf32, #tpu.memory_space<vmem>> -> memref<1024xf32, #tpu.memory_space<vmem>>
    %dma_start3A_1235 = tpu.memref_slice %arg4[%add3A_1230] : memref<98304xf32, #tpu.memory_space<hbm>> -> memref<1024xf32, #tpu.memory_space<hbm>>
    %dma_start3A_1236 = tpu.memref_slice %arg4[%add3A_1230] : memref<98304xf32, #tpu.memory_space<hbm>> -> memref<1024xf32, #tpu.memory_space<hbm>>
    %dma_start3A_1237 = arith.constant 0 : i32
    %dma_start3A_1238 = tpu.memref_slice %arg11[%dma_start3A_1231, %dma_start3A_1237] : memref<6x1024xf32, #tpu.memory_space<vmem>> -> memref<1x1024xf32, #tpu.memory_space<vmem>>
    %dma_start3A_1239 = tpu.memref_squeeze %dma_start3A_1238 : memref<1x1024xf32, #tpu.memory_space<vmem>> -> memref<1024xf32, #tpu.memory_space<vmem>>
    tpu.enqueue_dma source(%dma_start3A_1239 : memref<1024xf32, #tpu.memory_space<vmem>>) target(%dma_start3A_1236 : memref<1024xf32, #tpu.memory_space<hbm>>) target_semaphore(%arg15 : memref<!tpu.dma_semaphore, #tpu.memory_space<semaphore_mem>>)
    %add3A_1240 = arith.constant 32768 : i32
    %add3A_1241 = arith.addi %add3A_1240, %mul3A_2 : i32
    %dma_start3A_1242 = arith.constant 2 : i32
    %dma_start3A_1243 = arith.constant 0 : i32
    %dma_start3A_1244 = tpu.memref_slice %arg11[%dma_start3A_1242, %dma_start3A_1243] : memref<6x1024xf32, #tpu.memory_space<vmem>> -> memref<1x1024xf32, #tpu.memory_space<vmem>>
    %dma_start3A_1245 = tpu.memref_squeeze %dma_start3A_1244 : memref<1x1024xf32, #tpu.memory_space<vmem>> -> memref<1024xf32, #tpu.memory_space<vmem>>
    %dma_start3A_1246 = tpu.memref_slice %arg4[%add3A_1241] : memref<98304xf32, #tpu.memory_space<hbm>> -> memref<1024xf32, #tpu.memory_space<hbm>>
    %dma_start3A_1247 = tpu.memref_slice %arg4[%add3A_1241] : memref<98304xf32, #tpu.memory_space<hbm>> -> memref<1024xf32, #tpu.memory_space<hbm>>
    %dma_start3A_1248 = arith.constant 0 : i32
    %dma_start3A_1249 = tpu.memref_slice %arg11[%dma_start3A_1242, %dma_start3A_1248] : memref<6x1024xf32, #tpu.memory_space<vmem>> -> memref<1x1024xf32, #tpu.memory_space<vmem>>
    %dma_start3A_1250 = tpu.memref_squeeze %dma_start3A_1249 : memref<1x1024xf32, #tpu.memory_space<vmem>> -> memref<1024xf32, #tpu.memory_space<vmem>>
    tpu.enqueue_dma source(%dma_start3A_1250 : memref<1024xf32, #tpu.memory_space<vmem>>) target(%dma_start3A_1247 : memref<1024xf32, #tpu.memory_space<hbm>>) target_semaphore(%arg15 : memref<!tpu.dma_semaphore, #tpu.memory_space<semaphore_mem>>)
    %add3A_1251 = arith.constant 49152 : i32
    %add3A_1252 = arith.addi %add3A_1251, %mul3A_2 : i32
    %dma_start3A_1253 = arith.constant 3 : i32
    %dma_start3A_1254 = arith.constant 0 : i32
    %dma_start3A_1255 = tpu.memref_slice %arg11[%dma_start3A_1253, %dma_start3A_1254] : memref<6x1024xf32, #tpu.memory_space<vmem>> -> memref<1x1024xf32, #tpu.memory_space<vmem>>
    %dma_start3A_1256 = tpu.memref_squeeze %dma_start3A_1255 : memref<1x1024xf32, #tpu.memory_space<vmem>> -> memref<1024xf32, #tpu.memory_space<vmem>>
    %dma_start3A_1257 = tpu.memref_slice %arg4[%add3A_1252] : memref<98304xf32, #tpu.memory_space<hbm>> -> memref<1024xf32, #tpu.memory_space<hbm>>
    %dma_start3A_1258 = tpu.memref_slice %arg4[%add3A_1252] : memref<98304xf32, #tpu.memory_space<hbm>> -> memref<1024xf32, #tpu.memory_space<hbm>>
    %dma_start3A_1259 = arith.constant 0 : i32
    %dma_start3A_1260 = tpu.memref_slice %arg11[%dma_start3A_1253, %dma_start3A_1259] : memref<6x1024xf32, #tpu.memory_space<vmem>> -> memref<1x1024xf32, #tpu.memory_space<vmem>>
    %dma_start3A_1261 = tpu.memref_squeeze %dma_start3A_1260 : memref<1x1024xf32, #tpu.memory_space<vmem>> -> memref<1024xf32, #tpu.memory_space<vmem>>
    tpu.enqueue_dma source(%dma_start3A_1261 : memref<1024xf32, #tpu.memory_space<vmem>>) target(%dma_start3A_1258 : memref<1024xf32, #tpu.memory_space<hbm>>) target_semaphore(%arg15 : memref<!tpu.dma_semaphore, #tpu.memory_space<semaphore_mem>>)
    %add3A_1262 = arith.constant 65536 : i32
    %add3A_1263 = arith.addi %add3A_1262, %mul3A_2 : i32
    %dma_start3A_1264 = arith.constant 4 : i32
    %dma_start3A_1265 = arith.constant 0 : i32
    %dma_start3A_1266 = tpu.memref_slice %arg11[%dma_start3A_1264, %dma_start3A_1265] : memref<6x1024xf32, #tpu.memory_space<vmem>> -> memref<1x1024xf32, #tpu.memory_space<vmem>>
    %dma_start3A_1267 = tpu.memref_squeeze %dma_start3A_1266 : memref<1x1024xf32, #tpu.memory_space<vmem>> -> memref<1024xf32, #tpu.memory_space<vmem>>
    %dma_start3A_1268 = tpu.memref_slice %arg4[%add3A_1263] : memref<98304xf32, #tpu.memory_space<hbm>> -> memref<1024xf32, #tpu.memory_space<hbm>>
    %dma_start3A_1269 = tpu.memref_slice %arg4[%add3A_1263] : memref<98304xf32, #tpu.memory_space<hbm>> -> memref<1024xf32, #tpu.memory_space<hbm>>
    %dma_start3A_1270 = arith.constant 0 : i32
    %dma_start3A_1271 = tpu.memref_slice %arg11[%dma_start3A_1264, %dma_start3A_1270] : memref<6x1024xf32, #tpu.memory_space<vmem>> -> memref<1x1024xf32, #tpu.memory_space<vmem>>
    %dma_start3A_1272 = tpu.memref_squeeze %dma_start3A_1271 : memref<1x1024xf32, #tpu.memory_space<vmem>> -> memref<1024xf32, #tpu.memory_space<vmem>>
    tpu.enqueue_dma source(%dma_start3A_1272 : memref<1024xf32, #tpu.memory_space<vmem>>) target(%dma_start3A_1269 : memref<1024xf32, #tpu.memory_space<hbm>>) target_semaphore(%arg15 : memref<!tpu.dma_semaphore, #tpu.memory_space<semaphore_mem>>)
    %add3A_1273 = arith.constant 81920 : i32
    %add3A_1274 = arith.addi %add3A_1273, %mul3A_2 : i32
    %dma_start3A_1275 = arith.constant 5 : i32
    %dma_start3A_1276 = arith.constant 0 : i32
    %dma_start3A_1277 = tpu.memref_slice %arg11[%dma_start3A_1275, %dma_start3A_1276] : memref<6x1024xf32, #tpu.memory_space<vmem>> -> memref<1x1024xf32, #tpu.memory_space<vmem>>
    %dma_start3A_1278 = tpu.memref_squeeze %dma_start3A_1277 : memref<1x1024xf32, #tpu.memory_space<vmem>> -> memref<1024xf32, #tpu.memory_space<vmem>>
    %dma_start3A_1279 = tpu.memref_slice %arg4[%add3A_1274] : memref<98304xf32, #tpu.memory_space<hbm>> -> memref<1024xf32, #tpu.memory_space<hbm>>
    %dma_start3A_1280 = tpu.memref_slice %arg4[%add3A_1274] : memref<98304xf32, #tpu.memory_space<hbm>> -> memref<1024xf32, #tpu.memory_space<hbm>>
    %dma_start3A_1281 = arith.constant 0 : i32
    %dma_start3A_1282 = tpu.memref_slice %arg11[%dma_start3A_1275, %dma_start3A_1281] : memref<6x1024xf32, #tpu.memory_space<vmem>> -> memref<1x1024xf32, #tpu.memory_space<vmem>>
    %dma_start3A_1283 = tpu.memref_squeeze %dma_start3A_1282 : memref<1x1024xf32, #tpu.memory_space<vmem>> -> memref<1024xf32, #tpu.memory_space<vmem>>
    tpu.enqueue_dma source(%dma_start3A_1283 : memref<1024xf32, #tpu.memory_space<vmem>>) target(%dma_start3A_1280 : memref<1024xf32, #tpu.memory_space<hbm>>) target_semaphore(%arg15 : memref<!tpu.dma_semaphore, #tpu.memory_space<semaphore_mem>>)
    %dma_wait3A_1284 = arith.constant 0 : i32
    %dma_wait3A_1285 = arith.constant 0 : i32
    %dma_wait3A_1286 = tpu.memref_slice %arg11[%dma_wait3A_1284, %dma_wait3A_1285] : memref<6x1024xf32, #tpu.memory_space<vmem>> -> memref<1x1024xf32, #tpu.memory_space<vmem>>
    %dma_wait3A_1287 = tpu.memref_squeeze %dma_wait3A_1286 : memref<1x1024xf32, #tpu.memory_space<vmem>> -> memref<1024xf32, #tpu.memory_space<vmem>>
    %dma_wait3A_1288 = tpu.memref_slice %arg4[%add3A_1219] : memref<98304xf32, #tpu.memory_space<hbm>> -> memref<1024xf32, #tpu.memory_space<hbm>>
    %dma_wait3A_1289 = tpu.memref_slice %arg4[%add3A_1219] : memref<98304xf32, #tpu.memory_space<hbm>> -> memref<1024xf32, #tpu.memory_space<hbm>>
    %dma_wait3A_1290 = arith.constant 0 : i32
    %dma_wait3A_1291 = tpu.memref_slice %arg11[%dma_wait3A_1284, %dma_wait3A_1290] : memref<6x1024xf32, #tpu.memory_space<vmem>> -> memref<1x1024xf32, #tpu.memory_space<vmem>>
    %dma_wait3A_1292 = tpu.memref_squeeze %dma_wait3A_1291 : memref<1x1024xf32, #tpu.memory_space<vmem>> -> memref<1024xf32, #tpu.memory_space<vmem>>
    tpu.wait_dma2 semaphore(%arg15 : memref<!tpu.dma_semaphore, #tpu.memory_space<semaphore_mem>>) src(%dma_wait3A_1292 : memref<1024xf32, #tpu.memory_space<vmem>>) dst(%dma_wait3A_1289 : memref<1024xf32, #tpu.memory_space<hbm>>)
    %dma_wait3A_1293 = arith.constant 1 : i32
    %dma_wait3A_1294 = arith.constant 0 : i32
    %dma_wait3A_1295 = tpu.memref_slice %arg11[%dma_wait3A_1293, %dma_wait3A_1294] : memref<6x1024xf32, #tpu.memory_space<vmem>> -> memref<1x1024xf32, #tpu.memory_space<vmem>>
    %dma_wait3A_1296 = tpu.memref_squeeze %dma_wait3A_1295 : memref<1x1024xf32, #tpu.memory_space<vmem>> -> memref<1024xf32, #tpu.memory_space<vmem>>
    %dma_wait3A_1297 = tpu.memref_slice %arg4[%add3A_1230] : memref<98304xf32, #tpu.memory_space<hbm>> -> memref<1024xf32, #tpu.memory_space<hbm>>
    %dma_wait3A_1298 = tpu.memref_slice %arg4[%add3A_1230] : memref<98304xf32, #tpu.memory_space<hbm>> -> memref<1024xf32, #tpu.memory_space<hbm>>
    %dma_wait3A_1299 = arith.constant 0 : i32
    %dma_wait3A_1300 = tpu.memref_slice %arg11[%dma_wait3A_1293, %dma_wait3A_1299] : memref<6x1024xf32, #tpu.memory_space<vmem>> -> memref<1x1024xf32, #tpu.memory_space<vmem>>
    %dma_wait3A_1301 = tpu.memref_squeeze %dma_wait3A_1300 : memref<1x1024xf32, #tpu.memory_space<vmem>> -> memref<1024xf32, #tpu.memory_space<vmem>>
    tpu.wait_dma2 semaphore(%arg15 : memref<!tpu.dma_semaphore, #tpu.memory_space<semaphore_mem>>) src(%dma_wait3A_1301 : memref<1024xf32, #tpu.memory_space<vmem>>) dst(%dma_wait3A_1298 : memref<1024xf32, #tpu.memory_space<hbm>>)
    %dma_wait3A_1302 = arith.constant 2 : i32
    %dma_wait3A_1303 = arith.constant 0 : i32
    %dma_wait3A_1304 = tpu.memref_slice %arg11[%dma_wait3A_1302, %dma_wait3A_1303] : memref<6x1024xf32, #tpu.memory_space<vmem>> -> memref<1x1024xf32, #tpu.memory_space<vmem>>
    %dma_wait3A_1305 = tpu.memref_squeeze %dma_wait3A_1304 : memref<1x1024xf32, #tpu.memory_space<vmem>> -> memref<1024xf32, #tpu.memory_space<vmem>>
    %dma_wait3A_1306 = tpu.memref_slice %arg4[%add3A_1241] : memref<98304xf32, #tpu.memory_space<hbm>> -> memref<1024xf32, #tpu.memory_space<hbm>>
    %dma_wait3A_1307 = tpu.memref_slice %arg4[%add3A_1241] : memref<98304xf32, #tpu.memory_space<hbm>> -> memref<1024xf32, #tpu.memory_space<hbm>>
    %dma_wait3A_1308 = arith.constant 0 : i32
    %dma_wait3A_1309 = tpu.memref_slice %arg11[%dma_wait3A_1302, %dma_wait3A_1308] : memref<6x1024xf32, #tpu.memory_space<vmem>> -> memref<1x1024xf32, #tpu.memory_space<vmem>>
    %dma_wait3A_1310 = tpu.memref_squeeze %dma_wait3A_1309 : memref<1x1024xf32, #tpu.memory_space<vmem>> -> memref<1024xf32, #tpu.memory_space<vmem>>
    tpu.wait_dma2 semaphore(%arg15 : memref<!tpu.dma_semaphore, #tpu.memory_space<semaphore_mem>>) src(%dma_wait3A_1310 : memref<1024xf32, #tpu.memory_space<vmem>>) dst(%dma_wait3A_1307 : memref<1024xf32, #tpu.memory_space<hbm>>)
    %dma_wait3A_1311 = arith.constant 3 : i32
    %dma_wait3A_1312 = arith.constant 0 : i32
    %dma_wait3A_1313 = tpu.memref_slice %arg11[%dma_wait3A_1311, %dma_wait3A_1312] : memref<6x1024xf32, #tpu.memory_space<vmem>> -> memref<1x1024xf32, #tpu.memory_space<vmem>>
    %dma_wait3A_1314 = tpu.memref_squeeze %dma_wait3A_1313 : memref<1x1024xf32, #tpu.memory_space<vmem>> -> memref<1024xf32, #tpu.memory_space<vmem>>
    %dma_wait3A_1315 = tpu.memref_slice %arg4[%add3A_1252] : memref<98304xf32, #tpu.memory_space<hbm>> -> memref<1024xf32, #tpu.memory_space<hbm>>
    %dma_wait3A_1316 = tpu.memref_slice %arg4[%add3A_1252] : memref<98304xf32, #tpu.memory_space<hbm>> -> memref<1024xf32, #tpu.memory_space<hbm>>
    %dma_wait3A_1317 = arith.constant 0 : i32
    %dma_wait3A_1318 = tpu.memref_slice %arg11[%dma_wait3A_1311, %dma_wait3A_1317] : memref<6x1024xf32, #tpu.memory_space<vmem>> -> memref<1x1024xf32, #tpu.memory_space<vmem>>
    %dma_wait3A_1319 = tpu.memref_squeeze %dma_wait3A_1318 : memref<1x1024xf32, #tpu.memory_space<vmem>> -> memref<1024xf32, #tpu.memory_space<vmem>>
    tpu.wait_dma2 semaphore(%arg15 : memref<!tpu.dma_semaphore, #tpu.memory_space<semaphore_mem>>) src(%dma_wait3A_1319 : memref<1024xf32, #tpu.memory_space<vmem>>) dst(%dma_wait3A_1316 : memref<1024xf32, #tpu.memory_space<hbm>>)
    %dma_wait3A_1320 = arith.constant 4 : i32
    %dma_wait3A_1321 = arith.constant 0 : i32
    %dma_wait3A_1322 = tpu.memref_slice %arg11[%dma_wait3A_1320, %dma_wait3A_1321] : memref<6x1024xf32, #tpu.memory_space<vmem>> -> memref<1x1024xf32, #tpu.memory_space<vmem>>
    %dma_wait3A_1323 = tpu.memref_squeeze %dma_wait3A_1322 : memref<1x1024xf32, #tpu.memory_space<vmem>> -> memref<1024xf32, #tpu.memory_space<vmem>>
    %dma_wait3A_1324 = tpu.memref_slice %arg4[%add3A_1263] : memref<98304xf32, #tpu.memory_space<hbm>> -> memref<1024xf32, #tpu.memory_space<hbm>>
    %dma_wait3A_1325 = tpu.memref_slice %arg4[%add3A_1263] : memref<98304xf32, #tpu.memory_space<hbm>> -> memref<1024xf32, #tpu.memory_space<hbm>>
    %dma_wait3A_1326 = arith.constant 0 : i32
    %dma_wait3A_1327 = tpu.memref_slice %arg11[%dma_wait3A_1320, %dma_wait3A_1326] : memref<6x1024xf32, #tpu.memory_space<vmem>> -> memref<1x1024xf32, #tpu.memory_space<vmem>>
    %dma_wait3A_1328 = tpu.memref_squeeze %dma_wait3A_1327 : memref<1x1024xf32, #tpu.memory_space<vmem>> -> memref<1024xf32, #tpu.memory_space<vmem>>
    tpu.wait_dma2 semaphore(%arg15 : memref<!tpu.dma_semaphore, #tpu.memory_space<semaphore_mem>>) src(%dma_wait3A_1328 : memref<1024xf32, #tpu.memory_space<vmem>>) dst(%dma_wait3A_1325 : memref<1024xf32, #tpu.memory_space<hbm>>)
    %dma_wait3A_1329 = arith.constant 5 : i32
    %dma_wait3A_1330 = arith.constant 0 : i32
    %dma_wait3A_1331 = tpu.memref_slice %arg11[%dma_wait3A_1329, %dma_wait3A_1330] : memref<6x1024xf32, #tpu.memory_space<vmem>> -> memref<1x1024xf32, #tpu.memory_space<vmem>>
    %dma_wait3A_1332 = tpu.memref_squeeze %dma_wait3A_1331 : memref<1x1024xf32, #tpu.memory_space<vmem>> -> memref<1024xf32, #tpu.memory_space<vmem>>
    %dma_wait3A_1333 = tpu.memref_slice %arg4[%add3A_1274] : memref<98304xf32, #tpu.memory_space<hbm>> -> memref<1024xf32, #tpu.memory_space<hbm>>
    %dma_wait3A_1334 = tpu.memref_slice %arg4[%add3A_1274] : memref<98304xf32, #tpu.memory_space<hbm>> -> memref<1024xf32, #tpu.memory_space<hbm>>
    %dma_wait3A_1335 = arith.constant 0 : i32
    %dma_wait3A_1336 = tpu.memref_slice %arg11[%dma_wait3A_1329, %dma_wait3A_1335] : memref<6x1024xf32, #tpu.memory_space<vmem>> -> memref<1x1024xf32, #tpu.memory_space<vmem>>
    %dma_wait3A_1337 = tpu.memref_squeeze %dma_wait3A_1336 : memref<1x1024xf32, #tpu.memory_space<vmem>> -> memref<1024xf32, #tpu.memory_space<vmem>>
    tpu.wait_dma2 semaphore(%arg15 : memref<!tpu.dma_semaphore, #tpu.memory_space<semaphore_mem>>) src(%dma_wait3A_1337 : memref<1024xf32, #tpu.memory_space<vmem>>) dst(%dma_wait3A_1334 : memref<1024xf32, #tpu.memory_space<hbm>>)
    return
  }
}

</mosaic_0001>

<sc_bundles>
// kernel: kernel.3.cloned.1.call-start
scs
__scs_entry_jumppad:
0x0: {  	(pc) =	sbr.rel $0x88, $3  }
0x1: {  	(tag) =	ssettag $0x0;
	lr =	simm.s32 $0x1  }
0x2: {  	[smem:$0x3F9F] =	sst lr;
	_ =	strace $0xD0000000  }
0x3: {  	_ = 	snop  }
0x4: {  	_ = 	snop  }
0x5: {  	_ = 	snop  }
0x6: {  	_ = 	snop  }
0x7: {  	_ = 	snop  }
__scs_overlays_trampoline_lowered:
0x8: {  	[smem:$0x3FAE] =	sst s0  }
0x9: {  	[smem:$0x3FAF] =	sst s1  }
0xa: {  	[smem:$0x3FB0] =	sst s2  }
0xb: {  	[smem:$0x3FB1] =	sst s3  }
0xc: {  	[smem:$0x3FB2] =	sst s4  }
0xd: {  	[smem:$0x3FB3] =	sst s5  }
0xe: {  	[smem:$0x3FB4] =	sst s6  }
0xf: {  	[smem:$0x3FB5] =	sst s7  }
0x10: {  	[smem:$0x3FB6] =	sst s8  }
0x11: {  	[smem:$0x3FB7] =	sst s9;
	s0 =	simm.s32 @!p0 $0x0  }
0x12: {  	s1 =	sld [smem:$0x3F9D];
	s0 =	simm.s32 @p0 $0x1  }
0x13: {  	[smem:$0x3FB8] =	sst s0;
	s0 =	simm.s32 @!p1 $0x0  }
0x14: {  	s2 =	sld [smem:$0x3F9C];
	s0 =	simm.s32 @p1 $0x1  }
0x15: {  	[smem:$0x3FB9] =	sst s0;
	s0 =	simm.s32 @!p2 $0x0  }
0x16: {  	s3 =	sld [smem:$0x3FDB];
	s0 =	simm.s32 @p2 $0x1  }
0x17: {  	s4 =	simm.s32 $0x1BF5;
	[smem:$0x3FBB] =	sst s0  }
0x18: {  	s0 =	sld [smem:$0x3F9E];
	_ =	swait.ge [sflag:s4], $0x0  }
0x19: {  	s7 =	sld [smem:$0x3F9F]  }
0x1a: {  	s8 =	sadd.s32 $0xFFFFE003, lr  }
0x1b: {  	s9 =	sadd.s32 $0xFFFFFEF7, lr;
	s5 =	simm.s32 $0xFFFFFFFF;
	p2 =	slt.u32 s8, $0xFFFFF086  }
0x1c: {  	p1 =	slt.u32 s9, $0xF7A;
	s5 =	simm.s32 @!p2 $0x0  }
0x1d: {  	s5 =	simm.s32 @p1 $0x1;
	p0 =	seq.s32 s7, s2  }
0x1e: {  	s7 =	smul.u32 @!p0 $0xF7A, s2;
	p2 =	seq.s32 @!p0 s5, $0x0  }
0x1f: {  	s9 =	smul.u32 $0xF7A, s1;
	s8 =	simm.s32 @!p0 $0x1BF5;
	p2 =	por !p2, p0  }
0x20: {  	[sflag:s8] =	ssyncset.s32 @!p0 $0xFFFFF086;
	s6 =	sadd.s32 @!p0 s3, s7;
	s7 =	simm.s32 @!p0 $0x108  }
0x21: {  	s3 =	sadd.s32 s3, s9;
	s6 =	sadd.s32 @!p0 $0x88, s6;
	s7 =	simm.s32 @p2 $0x1082  }
0x22: {  	[simem:s7], [sflag:s8] =	dma.local @!p0 [hbm:s6], $0xF7A  }
0x23: {  	s9 =	sor.u32 $0xD0000000, s2;
	s6 =	simm.s32 $0x108;
	_ =	swait.ge @!p0 [sflag:s8], $0x0  }
0x24: {  	s3 =	sadd.s32 $0x88, s3;
	s6 =	simm.s32 @!p1 $0x1082;
	[sflag:s4] =	ssyncset.s32 $0xFFFFF086  }
0x25: {  	[simem:s6], [sflag:s4] =	dma.local [hbm:s3], $0xF7A  }
0x26: {  	[smem:$0x3F9F] =	sst s1;
	(tag) =	ssettag s2;
	_ =	strace s9  }
0x27: {  	s1 =	sld [smem:$0x3FAF]  }
0x28: {  	s2 =	sld [smem:$0x3FB0]  }
0x29: {  	s4 =	sld [smem:$0x3FB2]  }
0x2a: {  	p0 =	seq.s32 s5, $0x0;
	s5 =	sld [smem:$0x3FB3]  }
0x2b: {  	s6 =	sld [smem:$0x3FB4]  }
0x2c: {  	s7 =	sld [smem:$0x3FB5]  }
0x2d: {  	s3 =	simm.s32 $0x108;
	s8 =	sld [smem:$0x3FB6]  }
0x2e: {  	s3 =	simm.s32 @!p0 $0x1082;
	s9 =	sld [smem:$0x3FB7]  }
0x2f: {  	lr =	sadd.s32 s0, s3;
	s0 =	sld [smem:$0x3FAE]  }
0x30: {  	s3 =	sld [smem:$0x3FB1]  }
0x31: {  	[smem:$0x3FBA] =	sst s10  }
0x32: {  	s10 =	sld [smem:$0x3FB8];
	_ =	sdelay $0x3  }
0x33: {  	p0 =	seq.s32 s10, $0x1;
	s10 =	sld [smem:$0x3FBA];
	_ =	sdelay $0x3  }
0x34: {  	[smem:$0x3FBA] =	sst s10  }
0x35: {  	s10 =	sld [smem:$0x3FB9];
	_ =	sdelay $0x3  }
0x36: {  	p1 =	seq.s32 s10, $0x1;
	s10 =	sld [smem:$0x3FBA];
	_ =	sdelay $0x3  }
0x37: {  	[smem:$0x3FBA] =	sst s10  }
0x38: {  	s10 =	sld [smem:$0x3FBB]  }
0x39: {  	_ = 	snop;
	(pc) =	sbr.ind lr, $3  }
0x3a: {  	_ = 	snop  }
0x3b: {  	_ = 	snop  }
0x3c: {  	p2 =	seq.s32 s10, $0x1;
	s10 =	sld [smem:$0x3FBA]  }
0x3d: {  	_ =	shalt  }
0x3e: {  	_ =	shalt  }
0x3f: {  	_ =	shalt  }
0x40: {  	_ =	shalt  }
0x41: {  	_ =	shalt  }
0x42: {  	_ =	shalt  }
0x43: {  	_ =	shalt  }
0x44: {  	_ =	shalt  }
0x45: {  	_ =	shalt  }
0x46: {  	_ =	shalt  }
0x47: {  	_ =	shalt  }
0x48: {  	_ =	shalt  }
0x49: {  	_ =	shalt  }
0x4a: {  	_ =	shalt  }
0x4b: {  	_ =	shalt  }
0x4c: {  	_ =	shalt  }
0x4d: {  	_ =	shalt  }
0x4e: {  	_ =	shalt  }
0x4f: {  	_ =	shalt  }
0x50: {  	_ =	shalt  }
0x51: {  	_ =	shalt  }
0x52: {  	_ =	shalt  }
0x53: {  	_ =	shalt  }
0x54: {  	_ =	shalt  }
0x55: {  	_ =	shalt  }
0x56: {  	_ =	shalt  }
0x57: {  	_ =	shalt  }
0x58: {  	_ =	shalt  }
0x59: {  	_ =	shalt  }
0x5a: {  	_ =	shalt  }
0x5b: {  	_ =	shalt  }
0x5c: {  	_ =	shalt  }
0x5d: {  	_ =	shalt  }
0x5e: {  	_ =	shalt  }
0x5f: {  	_ =	shalt  }
0x60: {  	_ =	shalt  }
0x61: {  	_ =	shalt  }
0x62: {  	_ =	shalt  }
0x63: {  	_ =	shalt  }
0x64: {  	_ =	shalt  }
0x65: {  	_ =	shalt  }
0x66: {  	_ =	shalt  }
0x67: {  	_ =	shalt  }
0x68: {  	_ =	shalt  }
0x69: {  	_ =	shalt  }
0x6a: {  	_ =	shalt  }
0x6b: {  	_ =	shalt  }
0x6c: {  	_ =	shalt  }
0x6d: {  	_ =	shalt  }
0x6e: {  	_ =	shalt  }
0x6f: {  	_ =	shalt  }
0x70: {  	_ =	shalt  }
0x71: {  	_ =	shalt  }
0x72: {  	_ =	shalt  }
0x73: {  	_ =	shalt  }
0x74: {  	_ =	shalt  }
0x75: {  	_ =	shalt  }
0x76: {  	_ =	shalt  }
0x77: {  	_ =	shalt  }
0x78: {  	_ =	shalt  }
0x79: {  	_ =	shalt  }
0x7a: {  	_ =	shalt  }
0x7b: {  	_ =	shalt  }
0x7c: {  	_ =	shalt  }
0x7d: {  	_ =	shalt  }
0x7e: {  	_ =	shalt  }
0x7f: {  	_ =	shalt  }
0x80: {  	_ =	shalt  }
0x81: {  	_ =	shalt  }
0x82: {  	_ =	shalt  }
0x83: {  	_ =	shalt  }
0x84: {  	_ =	shalt  }
0x85: {  	_ =	shalt  }
0x86: {  	_ =	shalt  }
0x87: {  	_ =	shalt  }
.Lfunc_end0:
.L_simem_size_0:
called_computation_lowered:
.L_overlay_start_0:
0x88: {  	s0 =	sld [smem:$0x3FD9]  }
0x89: {  	s1 =	sld [smem:$0x3FFE];
	_ =	sdelay $0x3  }
0x8a: {  	s0 =	sadd.s32 s1, s0  }
0x8b: {  	[smem:$0x3FC6] =	sst s0  }
0x8c: {  	_ = 	snop  }
0x8d: {  	s0 =	sld [smem:$0x3FC9]  }
0x8e: {  	s17 =	sld [smem:$0x3FC8]  }
0x8f: {  	s2 =	sld [smem:$0x3FD0];
	(tm) =	ssettm $0x1  }
0x90: {  	s3 =	sld [smem:$0x3FFB];
	_ =	sdelay $0x3  }
0x91: {  	_ =	strace s3  }
0x92: {  	s3 =	sld [smem:$0x3FFC];
	_ =	sdelay $0x3  }
0x93: {  	_ =	strace s3  }
0x94: {  	s3 =	sld [smem:$0x3FFD];
	_ =	sdelay $0x3  }
0x95: {  	_ =	strace s3  }
0x96: {  	_ =	strace $0x8FFFFFFF  }
0x97: {  	s18 =	sld [smem:$0x3FDB];
	_ =	sdelay $0x1  }
0x98: {  	s4 =	simm.s32 $_scs_section_size  }
0x99: {  	s5 =	simm.s32 $_size__tile_overlayer_lowered;
	s6 =	simm.s32 $_tile_overlayer_lowered  }
0x9a: {  	s21 =	simm.s32 $0x1BFF;
	s20 =	sshll.u32 s6, $0x1;
	s3 =	sadd.s32 s4, s18  }
0x9b: {  	s7 =	simm.s32 $0x0;
	s19 =	sshll.u32 s5, $0x1;
	s5 =	sadd.s32 s20, s3  }
0x9c: {  	[timem:s7], [sflag:s21] =	dma.local [hbm:s5], s19  }
0x9d: {  	_ =	swait.ge [sflag:s21], s19  }
0x9e: {  	s4 =	ssub.s32 $0x0, s19;
	[sflag:s21] =	ssyncset.done $0x0  }
0x9f: {  	[sflag:s21] =	ssyncadd.s32 s4;
	_ =	sdelay $0x1  }
0xa0: {  	s22 =	simm.s32 $0x1B8B  }
0xa1: {  	_ =	swait.ge [sflag:s22], $0x1  }
0xa2: {  	[sflag:s22] =	ssyncset.done $0x0  }
0xa3: {  	s23 =	simm.s32 $0x1B8E;
	[sflag:s22] =	ssyncadd.s32 $0xFFFFFFFF  }
0xa4: {  	s24 =	simm.s32 $execute0_lowered;
	[smem:$0x3FD2] =	sst s23  }
0xa5: {  	s4 =	sshll.u32 s24, $0x1;
	_ =	strace $0x80000046;
	[dreg:$0x1] =	wrdreg $0xFFFFFFFF  }
0xa6: {  	s25 =	simm.s32 $_size_execute0_lowered;
	s3 =	sadd.s32 s3, s4;
	[dreg:$0x0] =	wrdreg $0x0  }
0xa7: {  	s4 =	sshll.u32 s25, $0x1;
	[dreg:$0x2] =	wrdreg s3  }
0xa8: {  	[dreg:$0x3] =	wrdreg s4  }
0xa9: {  	[dreg:$0x4] =	wrdreg $0xC0  }
0xaa: {  	_ =	task [dreg:s7], $0x5FFFF  }
0xab: {  	[dreg:$0x1] =	wrdreg $0xFFFFFFFF  }
0xac: {  	[dreg:$0x0] =	wrdreg $0x60  }
0xad: {  	[dreg:$0x2] =	wrdreg s0  }
0xae: {  	[dreg:$0x3] =	wrdreg s17  }
0xaf: {  	[dreg:$0x4] =	wrdreg s2  }
0xb0: {  	[dreg:$0x5] =	wrdreg $0x3F800  }
0xb1: {  	[dreg:$0x6] =	wrdreg $0x3F900  }
0xb2: {  	[dreg:$0x7] =	wrdreg $0x9  }
0xb3: {  	_ =	task.clear_ibuf [dreg:s7], $0x8FFFF;
	_ =	strace $0x90000046  }
0xb4: {  	s26 =	simm.s32 $0x9;
	_ =	strace $0x80000048  }
0xb5: {  	_ =	swait.ge [sflag:s26], $0x1  }
0xb6: {  	[sflag:s26] =	ssyncadd.s32 $0xFFFFFFFF  }
0xb7: {  	_ =	strace $0x90000048  }
0xb8: {  	_ =	sfence  }
0xb9: {  	s28 =	sld [smem:$0x0];
	_ =	sdelay $0x1  }
0xba: {  	s29 =	srdreg.scid  }
0xbb: {  	s30 =	sshll.u32 s29, $0xD;
	s31 =	sshrl.u32 s29, $0x2  }
0xbc: {  	s1 =	sand.u32 $0x1, s29;
	s2 =	sand.u32 $0x4000, s30;
	s0 =	sadd.s32 s31, s28  }
0xbd: {  	s1 =	sor.u32 s2, s1;
	s0 =	sshll.u32 s0, $0x11  }
0xbe: {  	s0 =	sor.u32 s0, s1  }
0xbf: {  	s0 =	sadd.s32 $0x8F2B, s0  }
0xc0: {  	[sflag:s0] =	ssyncadd.remote.s32 $0x1  }
0xc1: {  	_ =	sfence.sel $0xFFFF  }
0xc2: {  	[dreg:$0x0] =	wrdreg $0xFFFFFFFF;
	(pc) =	sbr.abs _section_cstart, $3  }
0xc3: {  	[dreg:$0x1] =	wrdreg $0xFFFFFFFF  }
0xc4: {  	_ =	task.clear_ibuf [dreg:s7], $0x2FFFF;
	_ =	strace $0x9FFFFFFF  }
0xc5: {  	(tm) =	ssettm $0x7FFFFFFF  }
tec
execute0_lowered:
.L_overlay_start_1:
0x0: {  	(tag) =	ssettag $0x1  }
0x1: {  	s7 =	rddreg [dreg:$0x0]  }
0x2: {  	s5 =	rddreg [dreg:$0x1]  }
0x3: {  	s2 =	rddreg [dreg:$0x2]  }
0x4: {  	s9 =	rddreg [dreg:$0x3]  }
0x5: {  	s6 =	rddreg [dreg:$0x4]  }
0x6: {  	s0 =	rddreg [dreg:$0x5];
	s4 =	simm.s32 $0x0;
	s1 =	stileid.u32  }
0x7: {  	s23 =	simm.s32 $0x1B80;
	[smem:$0x7FF] =	sst s4;
	s3 =	sshll.u32 s1, $0x7  }
0x8: {  	p0 =	seq.s32 s1, $0xF;
	_ =	strace $0x80000047;
	s8 =	sadd.s32 s5, s3  }
0x9: {  	[tilespmem:s23], [sflag:$0x1] =	stream.linear.gather [hbm4b:s8+s4], $0x400, $0x38;
	[tilespmem:$0x4110] =	vst v63  }
0xa: {  	s10 =	simm.s32 @p0 $0x0;
	s8 =	sadd.s32 @p0 $0x78, s7  }
0xb: {  	[tilespmem:s10], [sflag:$0x3] =	stream.linear.gather @p0 [hbm4b:s8+s10], $0x29, $0x38;
	[tilespmem:$0x4110] =	vst v63  }
0xc: {  	s8 =	simm.s32 @p0 $0x3  }
0xd: {  	_ =	swait.ge @p0 [sflag:s8], $0x29  }
0xe: {  	s10 =	sshll.u32 @!p0 s1, $0x3;
	[sflag:s8] =	ssyncset.done @p0 $0x0  }
0xf: {  	s7 =	sadd.s32 @!p0 s7, s10;
	[sflag:s8] =	ssyncadd.s32 @p0 $0xFFFFFFD7;
	s8 =	simm.s32 @!p0 $0x0  }
0x10: {  	[tilespmem:s8], [sflag:$0x3] =	stream.linear.gather @!p0 [hbm4b:s7+s8], $0x40, $0x38;
	[tilespmem:$0x4110] =	vst v63  }
0x11: {  	v0 =	vimm.s32 $0xEDCBA987;
	s7 =	simm.s32 @!p0 $0x3  }
0x12: {  	v1 =	vimm.s32 $0x65432100;
	v0 =	vunpack.c.l.s4.s8 v0;
	_ =	swait.ge @!p0 [sflag:s7], $0x40  }
0x13: {  	v1 =	vunpack.c.l.s4.s8 v1;
	[sflag:s7] =	ssyncset.done @!p0 $0x0  }
0x14: {  	v2 =	vunpack.c.0.s8.s32 v0;
	[sflag:s7] =	ssyncadd.s32 @!p0 $0xFFFFFFC0  }
0x15: {  	v1 =	vunpack.c.0.s8.s32 v1;
	v0 =	vld [tilespmem:$0x0]  }
0x16: {  	v2 =	vand.u32 $0xF, v2  }
0x17: {  	v9 =	vcombine.low v1, v2;
	_ =	sdelay $0x2  }
0x18: {  	v1 =	vimm.s32 $0xDCBA9876;
	v8 =	vsub.f32 $1.000000000e+00, v0  }
0x19: {  	v2 =	vimm.s32 $0x54321000;
	v1 =	vunpack.c.l.s4.s8 v1  }
0x1a: {  	s24 =	simm.s32 $0x80;
	v2 =	vunpack.c.l.s4.s8 v2;
	[tilespmem:$0x80] =	vst v8  }
0x1b: {  	v1 =	vunpack.c.0.s8.s32 v1;
	v3 =	vld.idx.msk [tilespmem:v9+s24+$0x0], $0xffff  }
0x1c: {  	v2 =	vunpack.c.0.s8.s32 v2  }
0x1d: {  	v1 =	vand.u32 $0xF, v1  }
0x1e: {  	v7 =	vcombine.low v2, v1;
	_ =	sdelay $0x1  }
0x1f: {  	v1 =	vmul.f32 v3, v8  }
0x20: {  	vm2 =	vmmov $0x1;
	v2 =	vimm.s32 $0xBA987654  }
0x21: {  	v2 =	vunpack.c.l.s4.s8 v2;
	v3 =	vimm.s32 $0x32100000;
	v1 =	vsel vm2, v8, v1  }
0x22: {  	v3 =	vunpack.c.l.s4.s8 v3;
	[tilespmem:$0x80] =	vst v1  }
0x23: {  	v2 =	vunpack.c.0.s8.s32 v2;
	v4 =	vld.idx.msk [tilespmem:v7+s24+$0x0], $0xffff  }
0x24: {  	v3 =	vunpack.c.0.s8.s32 v3  }
0x25: {  	v2 =	vand.u32 $0xF, v2  }
0x26: {  	v6 =	vcombine.low v3, v2;
	_ =	sdelay $0x1  }
0x27: {  	v2 =	vimm.s32 $0xE40000;
	v3 =	vmul.f32 v4, v1  }
0x28: {  	vm1 =	vmmov $0x3;
	v2 =	vunpack.c.l.s2.s4 v2  }
0x29: {  	v4 =	vsel vm1, v1, v3  }
0x2a: {  	vm0 =	vcmask $0x3F30;
	v2 =	vunpack.c.l.s4.s8 v2;
	[tilespmem:$0x80] =	vst v4  }
0x2b: {  	v12 =	vimm.s32 $0x1E1D1C1B;
	v13 =	vimm.s32 $0x12111010;
	v14 =	vimm.s32 $0x16151413;
	v10 =	vld.idx.msk [tilespmem:v6+s24+$0x0], $0xffff  }
0x2c: {  	v12 =	vunpack.c.0.s8.s32 v12;
	v2 =	vunpack.c.0.s8.s32 v2;
	v1 =	vimm.s32 $0x7060504  }
0x2d: {  	v13 =	vunpack.c.0.s8.s32 v13;
	v5 =	vunpack.c.0.s8.s32 v1;
	v1 =	vimm.s32 $0x1A191817  }
0x2e: {  	v14 =	vunpack.c.0.s8.s32 v14;
	v2 =	vand.u32 $0x3, v2;
	v11 =	vunpack.c.0.s8.s32 v1  }
0x2f: {  	vm3 =	vcmask $0x1F10;
	v1 =	vld [tilespmem:$0x10];
	v5 =	vsel vm0, v5, v2  }
0x30: {  	v2 =	vsel vm3, v12, v11;
	v10 =	vmul.f32 v10, v3;
	v3 =	vsel vm3, v14, v13  }
0x31: {  	v2 =	vcombine.low v3, v2;
	_ =	sdelay $0x1  }
0x32: {  	vm13 =	vmmov $0xf  }
0x33: {  	v12 =	vsub.f32 $1.000000000e+00, v1;
	v11 =	vsel vm13, v4, v10  }
0x34: {  	v15 =	vimm.s32 $0x15141312;
	v14 =	vimm.s32 $0x11101010;
	[tilespmem:$0x80] =	vst v11  }
0x35: {  	v15 =	vunpack.c.0.s8.s32 v15;
	v3 =	vimm.s32 $0x19181716;
	v4 =	vimm.s32 $0x1D1C1B1A;
	v13 =	vld.idx.msk [tilespmem:v5+s24+$0x0], $0xffff;
	[tilespmem:$0x90] =	vst v12  }
0x36: {  	v14 =	vunpack.c.0.s8.s32 v14;
	v3 =	vunpack.c.0.s8.s32 v3;
	v4 =	vunpack.c.0.s8.s32 v4;
	v2 =	vld.idx.msk [tilespmem:v2+s24+$0x0], $0xffff;
	_ =	sdelay $0x1  }
0x37: {  	v3 =	vsel vm3, v4, v3;
	v4 =	vsel vm3, v15, v14  }
0x38: {  	v3 =	vcombine.low v4, v3;
	_ =	sdelay $0x1  }
0x39: {  	v2 =	vmul.f32 v2, v12;
	_ =	sdelay $0x1  }
0x3a: {  	v4 =	vsel vm2, v12, v2  }
0x3b: {  	v14 =	vimm.s32 $0x13121114;
	[tilespmem:$0x90] =	vst v4  }
0x3c: {  	v15 =	vimm.s32 $0x17161518;
	v14 =	vunpack.c.0.s8.s32 v14;
	v3 =	vld.idx.msk [tilespmem:v3+s24+$0x0], $0xffff  }
0x3d: {  	vm6 =	vcmask $0x2314;
	v16 =	vimm.s32 $0x1B1A1900;
	v15 =	vunpack.c.0.s8.s32 v15  }
0x3e: {  	vm4 =	vcmask $0x3324;
	v16 =	vunpack.c.0.s8.s32 v16;
	v17 =	vnsel vm6, $0x10, v14  }
0x3f: {  	vm5 =	vcmask $0x3F34;
	v15 =	vsel vm4, v15, v17  }
0x40: {  	v15 =	vsel vm5, v16, v15  }
0x41: {  	v2 =	vmul.f32 v3, v2;
	_ =	sdelay $0x1  }
0x42: {  	v2 =	vsel vm1, v4, v2  }
0x43: {  	[tilespmem:$0x90] =	vst v2  }
0x44: {  	v19 =	vimm.s32 $0x2E2D2C2B;
	v20 =	vimm.s32 $0x22212020;
	v21 =	vimm.s32 $0x26252423;
	v15 =	vld.idx.msk [tilespmem:v15+s24+$0x0], $0xffff  }
0x45: {  	v19 =	vunpack.c.0.s8.s32 v19;
	v20 =	vunpack.c.0.s8.s32 v20;
	v16 =	vimm.s32 $0x17161500  }
0x46: {  	v21 =	vunpack.c.0.s8.s32 v21;
	v17 =	vimm.s32 $0x2A292827;
	v16 =	vunpack.c.0.s8.s32 v16  }
0x47: {  	v18 =	vld [tilespmem:$0x20];
	v14 =	vnsel vm4, $0x10, v14;
	v17 =	vunpack.c.0.s8.s32 v17;
	v4 =	vlaneseq.u32  }
0x48: {  	s25 =	sshll.u32 s1, $0x6;
	v16 =	vsel vm5, v16, v14;
	v3 =	vmul.u32 $0xFFFFFFFF, v4  }
0x49: {  	s26 =	sor.u32 $0x20, s25;
	v14 =	vsel vm3, v19, v17;
	v23 =	vmul.f32 v15, v2;
	v15 =	vsel vm3, v21, v20  }
0x4a: {  	v22 =	vmov s26;
	v3 =	vadd.s32 $0x3E9, v3;
	v15 =	vcombine.low v15, v14  }
0x4b: {  	vm7 =	vlt.u32 v22, v3  }
0x4c: {  	v17 =	vsel vm13, v2, v23;
	v2 =	vnsel vm7, $0x0, v18  }
0x4d: {  	v14 =	vsub.f32 $1.000000000e+00, v2  }
0x4e: {  	v29 =	vimm.s32 $0x25242322;
	v19 =	vimm.s32 $0x2D2C2B2A;
	[tilespmem:$0x90] =	vst v17  }
0x4f: {  	v19 =	vunpack.c.0.s8.s32 v19;
	v20 =	vimm.s32 $0x21202020;
	v18 =	vimm.s32 $0x29282726;
	v16 =	vld.idx.msk [tilespmem:v16+s24+$0x0], $0xffff;
	[tilespmem:$0xA0] =	vst v14  }
0x50: {  	v21 =	vunpack.c.0.s8.s32 v29;
	v20 =	vunpack.c.0.s8.s32 v20;
	v18 =	vunpack.c.0.s8.s32 v18;
	v15 =	vld.idx.msk [tilespmem:v15+s24+$0x0], $0xffff;
	_ =	sdelay $0x1  }
0x51: {  	v18 =	vsel vm3, v19, v18;
	v19 =	vsel vm3, v21, v20  }
0x52: {  	v18 =	vcombine.low v19, v18;
	_ =	sdelay $0x1  }
0x53: {  	v15 =	vmul.f32 v15, v14;
	_ =	sdelay $0x1  }
0x54: {  	v19 =	vsel vm2, v14, v15  }
0x55: {  	v20 =	vimm.s32 $0x23222124;
	[tilespmem:$0xA0] =	vst v19  }
0x56: {  	v30 =	vimm.s32 $0x27262528;
	v20 =	vunpack.c.0.s8.s32 v20;
	v18 =	vld.idx.msk [tilespmem:v18+s24+$0x0], $0xffff  }
0x57: {  	v31 =	vimm.s32 $0x2B2A2900;
	v21 =	vunpack.c.0.s8.s32 v30  }
0x58: {  	v22 =	vunpack.c.0.s8.s32 v31;
	v24 =	vnsel vm6, $0x20, v20  }
0x59: {  	v21 =	vsel vm4, v21, v24  }
0x5a: {  	v21 =	vsel vm5, v22, v21  }
0x5b: {  	v15 =	vmul.f32 v18, v15;
	_ =	sdelay $0x1  }
0x5c: {  	v32 =	vimm.s32 $0x3A393837;
	v34 =	vimm.s32 $0x3E3D3C3B;
	v15 =	vsel vm1, v19, v15  }
0x5d: {  	v25 =	vimm.s32 $0x32313030;
	v26 =	vimm.s32 $0x36353433;
	[tilespmem:$0xA0] =	vst v15  }
0x5e: {  	v25 =	vunpack.c.0.s8.s32 v25;
	v26 =	vunpack.c.0.s8.s32 v26;
	v19 =	vimm.s32 $0x27262500;
	v18 =	vld.idx.msk [tilespmem:v21+s24+$0x0], $0xffff  }
0x5f: {  	v33 =	vld [tilespmem:$0x30];
	v24 =	vunpack.c.0.s8.s32 v34;
	v19 =	vunpack.c.0.s8.s32 v19;
	v21 =	vunpack.c.0.s8.s32 v32  }
0x60: {  	v20 =	vnsel vm4, $0x20, v20  }
0x61: {  	s28 =	sor.u32 $0x30, s25;
	v35 =	vsel vm3, v26, v25;
	v19 =	vsel vm5, v19, v20;
	v20 =	vsel vm3, v24, v21  }
0x62: {  	v27 =	vmov s28;
	v20 =	vcombine.low v35, v20  }
0x63: {  	vm14 =	vlt.u32 v27, v3;
	v18 =	vmul.f32 v18, v15  }
0x64: {  	v3 =	vnsel vm14, $0x0, v33  }
0x65: {  	v36 =	vsel vm13, v15, v18;
	v15 =	vsub.f32 $1.000000000e+00, v3  }
0x66: {  	v37 =	vimm.s32 $0x39383736;
	v39 =	vimm.s32 $0x31303030;
	[tilespmem:$0xA0] =	vst v36  }
0x67: {  	v38 =	vimm.s32 $0x3D3C3B3A;
	v40 =	vimm.s32 $0x35343332;
	v25 =	vunpack.c.0.s8.s32 v39;
	v19 =	vld.idx.msk [tilespmem:v19+s24+$0x0], $0xffff;
	[tilespmem:$0xB0] =	vst v15  }
0x68: {  	v26 =	vunpack.c.0.s8.s32 v40;
	v22 =	vunpack.c.0.s8.s32 v37;
	v24 =	vunpack.c.0.s8.s32 v38;
	v20 =	vld.idx.msk [tilespmem:v20+s24+$0x0], $0xffff;
	_ =	sdelay $0x1  }
0x69: {  	v41 =	vsel vm3, v26, v25;
	v22 =	vsel vm3, v24, v22  }
0x6a: {  	v22 =	vcombine.low v41, v22;
	_ =	sdelay $0x1  }
0x6b: {  	v20 =	vmul.f32 v20, v15;
	_ =	sdelay $0x1  }
0x6c: {  	v42 =	vsel vm2, v15, v20  }
0x6d: {  	v43 =	vimm.s32 $0x33323134;
	[tilespmem:$0xB0] =	vst v42  }
0x6e: {  	v44 =	vimm.s32 $0x37363538;
	v25 =	vunpack.c.0.s8.s32 v43;
	v22 =	vld.idx.msk [tilespmem:v22+s24+$0x0], $0xffff  }
0x6f: {  	v45 =	vimm.s32 $0x3B3A3900;
	v26 =	vunpack.c.0.s8.s32 v44  }
0x70: {  	v28 =	vnsel vm6, $0x30, v25;
	v27 =	vunpack.c.0.s8.s32 v45  }
0x71: {  	v26 =	vsel vm4, v26, v28  }
0x72: {  	v26 =	vsel vm5, v27, v26  }
0x73: {  	v20 =	vmul.f32 v22, v20;
	_ =	sdelay $0x1  }
0x74: {  	v20 =	vsel vm1, v42, v20  }
0x75: {  	[tilespmem:$0xB0] =	vst v20  }
0x76: {  	v46 =	vld.idx.msk [tilespmem:v26+s24+$0x0], $0xffff  }
0x77: {  	v47 =	vimm.s32 $0x37363500  }
0x78: {  	v24 =	vunpack.c.0.s8.s32 v47  }
0x79: {  	v25 =	vnsel vm4, $0x30, v25  }
0x7a: {  	v24 =	vsel vm5, v24, v25  }
0x7b: {  	v22 =	vmul.f32 v46, v20;
	_ =	sdelay $0x1  }
0x7c: {  	v20 =	vsel vm13, v20, v22  }
0x7d: {  	v48 =	vimm.s32 $0xF;
	v10 =	vmul.f32 v13, v10;
	[tilespmem:$0xB0] =	vst v20  }
0x7e: {  	vm15 =	vmmov $0xff;
	v49 =	vimm.s32 $0x1F;
	v24 =	vld.idx.msk [tilespmem:v24+s24+$0x0], $0xffff  }
0x7f: {  	v13 =	vsel vm15, v11, v10;
	v10 =	vmul.f32 v16, v23  }
0x80: {  	v11 =	vimm.s32 $0x2F  }
0x81: {  	v10 =	vsel vm15, v17, v10;
	v16 =	vmul.f32 v19, v18;
	[tilespmem:$0x80] =	vst v13  }
0x82: {  	v18 =	vimm.s32 $0x3F;
	v17 =	vld.idx.msk [tilespmem:v48+s24+$0x0], $0xffff;
	[tilespmem:$0x90] =	vst v10  }
0x83: {  	v19 =	vsel vm15, v36, v16;
	v50 =	vld.idx.msk [tilespmem:v49+s24+$0x0], $0xffff;
	v16 =	vmul.f32 v24, v22  }
0x84: {  	[tilespmem:$0xA0] =	vst v19  }
0x85: {  	v11 =	vld.idx.msk [tilespmem:v11+s24+$0x0], $0xffff;
	v20 =	vsel vm15, v20, v16  }
0x86: {  	[tilespmem:$0xB0] =	vst v20  }
0x87: {  	v16 =	vld.idx.msk [tilespmem:v18+s24+$0x0], $0xffff  }
0x88: {  	v18 =	vmul.f32 v50, v17;
	_ =	sdelay $0x1  }
0x89: {  	v53 =	vmul.f32 v11, v18  }
0x8a: {  	v51 =	vmax.f32 v0, $1.000000000e-30  }
0x8b: {  	v52 =	vshra.s32 v51, $0x1;
	v21 =	vmul.f32 $5.000000000e-01, v51;
	v16 =	vmul.f32 v16, v53  }
0x8c: {  	s8 =	sshrl.u32 s25, $0x2;
	v11 =	vsub.s32 $0x5F3759DF, v52  }
0x8d: {  	s29 =	simm.s32 $0xC0;
	s30 =	simm.s32 $0x3;
	s8 =	sadd.s32 s8, s9;
	v54 =	vmax.f32 v1, $1.000000000e-30;
	v22 =	vmul.f32 v11, v21;
	[tilespmem:$0xC0] =	vst v16  }
0x8e: {  	v24 =	vmul.f32 $5.000000000e-01, v54;
	v16 =	vshra.s32 v54, $0x1;
	[spmem:s8] =	stream.linear.scatter [tilespmem:s29], [sflag:$0x3], $0x10, $0x38;
	[tilespmem:$0x4110] =	vst v63  }
0x8f: {  	v22 =	vmul.f32 v11, v22;
	v16 =	vsub.s32 $0x5F3759DF, v16;
	_ =	swait.ge [sflag:s30], $0x10  }
0x90: {  	v55 =	vmul.f32 v16, v24;
	[sflag:s30] =	ssyncset.done $0x0  }
0x91: {  	v59 =	vmul.u32 $0x10, v4;
	v22 =	vsub.f32 $1.500000000e+00, v22;
	[sflag:s30] =	ssyncadd.s32 $0xFFFFFFF0  }
0x92: {  	s31 =	simm.s32 $0x100;
	v56 =	vmul.f32 v16, v55;
	[bflag:$0x0] =	sbarrier.arrive $0xFFFF  }
0x93: {  	v33 =	vshra.s32 v8, $0x1;
	v58 =	vmax.f32 v2, $1.000000000e-30;
	v11 =	vmul.f32 v11, v22;
	[tilespmem:s31], [sflag:$0x3] =	stream.linear.gather [spmem:s9], $0x100, $0x38;
	[tilespmem:$0x4110] =	vst v63  }
0x94: {  	v60 =	vshra.s32 v58, $0x1;
	v34 =	vmul.f32 $5.000000000e-01, v8;
	v22 =	vsub.f32 $1.500000000e+00, v56;
	_ =	swait.ge [sflag:s30], $0x100  }
0x95: {  	v28 =	vsub.s32 $0x5F3759DF, v60;
	v26 =	vmul.f32 $5.000000000e-01, v58;
	v57 =	vmul.f32 v11, v21;
	[sflag:s30] =	ssyncset.done $0x0  }
0x96: {  	v37 =	vshra.s32 v12, $0x1;
	v12 =	vmul.f32 $5.000000000e-01, v12;
	v22 =	vmul.f32 v16, v22;
	[sflag:s30] =	ssyncadd.s32 $0xFFFFFF00  }
0x97: {  	v44 =	vshra.s32 v14, $0x1;
	v25 =	vmul.f32 v57, v11;
	v16 =	vmul.f32 v28, v26;
	v27 =	vld.idx.msk [tilespmem:v59+s31+$0x0], $0xffff  }
0x98: {  	v14 =	vmul.f32 $5.000000000e-01, v14;
	v38 =	vsub.s32 $0x5F3759DF, v37;
	v30 =	vmul.f32 v22, v24  }
0x99: {  	v40 =	vmul.f32 v38, v12;
	v25 =	vsub.f32 $1.500000000e+00, v25;
	v31 =	vmul.f32 v28, v16  }
0x9a: {  	v35 =	vsub.s32 $0x5F3759DF, v33;
	v16 =	vmul.f32 v17, v10;
	v10 =	vmul.f32 v30, v22  }
0x9b: {  	v36 =	vmul.f32 v35, v34;
	v25 =	vmul.f32 v25, v11  }
0x9c: {  	v11 =	vmul.f32 v18, v19;
	v19 =	vmax.f32 v3, $1.000000000e-30;
	v10 =	vsub.f32 $1.500000000e+00, v10;
	[tilespmem:$0x80] =	vst v27  }
0x9d: {  	v61 =	vshra.s32 v19, $0x1;
	v19 =	vmul.f32 $5.000000000e-01, v19;
	v17 =	vsub.f32 $1.500000000e+00, v31;
	v9 =	vld.idx.msk [tilespmem:v9+s24+$0x0], $0xffff  }
0x9e: {  	v18 =	vmul.f32 v25, v21;
	v21 =	vsub.s32 $0x5F3759DF, v61;
	v22 =	vmul.f32 v10, v22  }
0x9f: {  	v10 =	vmul.f32 v53, v20;
	v20 =	vmul.f32 v21, v19  }
0xa0: {  	s11 =	smax.u32 s1, $0x1;
	v39 =	vmul.f32 v35, v36;
	v17 =	vmul.f32 v28, v17  }
0xa1: {  	s9 =	sadd.s32 $0xFFFFFFFF, s11;
	v18 =	vmul.f32 v18, v25;
	v20 =	vmul.f32 v21, v20  }
0xa2: {  	v29 =	vmov s9;
	v28 =	vmul.f32 v17, v26;
	v9 =	vmul.f32 v9, v27  }
0xa3: {  	v54 =	vmul.f32 $5.000000000e-01, v13;
	v29 =	vbroadcast v29, $0x0;
	v20 =	vsub.f32 $1.500000000e+00, v20  }
0xa4: {  	v18 =	vsub.f32 $1.500000000e+00, v18;
	v63 =	vmul.f32 v28, v17;
	v27 =	vsel vm2, v27, v9  }
0xa5: {  	v62 =	vmul.f32 v22, v24;
	v20 =	vmul.f32 v21, v20;
	[tilespmem:$0x80] =	vst v27  }
0xa6: {  	v8 =	vmul.f32 v18, v25;
	v25 =	vmul.f32 v38, v40;
	v24 =	vsub.f32 $1.500000000e+00, v63;
	v7 =	vld.idx.msk [tilespmem:v7+s24+$0x0], $0xffff  }
0xa7: {  	v46 =	vsub.s32 $0x5F3759DF, v44;
	v18 =	vmul.f32 v62, v22;
	v41 =	vmul.f32 v20, v19  }
0xa8: {  	v59 =	vmul.f32 $5.000000000e-01, v16;
	v43 =	vsub.f32 $1.500000000e+00, v25;
	v17 =	vmul.f32 v24, v17  }
0xa9: {  	v25 =	vmul.f32 v46, v14;
	v18 =	vsub.f32 $1.500000000e+00, v18;
	v42 =	vmul.f32 v41, v20  }
0xaa: {  	v21 =	vmul.f32 v38, v43;
	v26 =	vmul.f32 v17, v26  }
0xab: {  	v18 =	vmul.f32 v18, v22;
	v22 =	vsub.f32 $1.500000000e+00, v42;
	v7 =	vmul.f32 v7, v9  }
0xac: {  	v25 =	vmul.f32 v46, v25;
	v48 =	vmul.f32 v21, v12  }
0xad: {  	v26 =	vmul.f32 v26, v17;
	v20 =	vmul.f32 v22, v20;
	v27 =	vsel vm1, v27, v7  }
0xae: {  	v24 =	vsub.f32 $1.500000000e+00, v39;
	v25 =	vsub.f32 $1.500000000e+00, v25;
	v49 =	vmul.f32 v48, v21;
	[tilespmem:$0x80] =	vst v27  }
0xaf: {  	v9 =	vmul.f32 v18, v1;
	v18 =	vsub.f32 $1.500000000e+00, v26;
	v19 =	vmul.f32 v20, v19;
	v50 =	vld.idx.msk [tilespmem:v6+s24+$0x0], $0xffff  }
0xb0: {  	v23 =	vmul.f32 v35, v24;
	v51 =	vmul.f32 v46, v25  }
0xb1: {  	v6 =	vmul.f32 v18, v17;
	v18 =	vmul.f32 v19, v20;
	v19 =	vsub.f32 $1.500000000e+00, v49  }
0xb2: {  	v57 =	vshra.s32 v15, $0x1;
	v36 =	vmul.f32 $5.000000000e-01, v11;
	v52 =	vmul.f32 v51, v14  }
0xb3: {  	v53 =	vshra.s32 v13, $0x1;
	v45 =	vmul.f32 v23, v34;
	v19 =	vmul.f32 v19, v21  }
0xb4: {  	v18 =	vsub.f32 $1.500000000e+00, v18;
	v21 =	vmul.f32 v52, v51;
	v55 =	vmul.f32 v50, v7  }
0xb5: {  	v24 =	vsub.s32 $0x5F3759DF, v53;
	v47 =	vmul.f32 v45, v23;
	v12 =	vmul.f32 v19, v12  }
0xb6: {  	v21 =	vsub.f32 $1.500000000e+00, v21;
	v7 =	vmul.f32 v18, v20;
	v20 =	vsel vm13, v27, v55  }
0xb7: {  	v22 =	vsub.f32 $1.500000000e+00, v47;
	v18 =	vmul.f32 v24, v54;
	v56 =	vmul.f32 v12, v19;
	[tilespmem:$0x80] =	vst v20  }
0xb8: {  	v58 =	vshra.s32 v16, $0x1;
	v12 =	vmul.f32 $5.000000000e-01, v15;
	v21 =	vmul.f32 v21, v51;
	v5 =	vld.idx.msk [tilespmem:v5+s24+$0x0], $0xffff  }
0xb9: {  	v17 =	vmul.f32 v22, v23;
	v15 =	vmul.f32 v24, v18;
	v18 =	vsub.s32 $0x5F3759DF, v57  }
0xba: {  	v28 =	vsub.s32 $0x5F3759DF, v58;
	v60 =	vmul.f32 v18, v12;
	v14 =	vmul.f32 v21, v14  }
0xbb: {  	v61 =	vmul.f32 v28, v59;
	v23 =	vmul.f32 v17, v34;
	v15 =	vsub.f32 $1.500000000e+00, v15  }
0xbc: {  	v31 =	vmul.f32 v18, v60;
	v14 =	vmul.f32 v14, v21  }
0xbd: {  	v24 =	vmul.f32 v24, v15;
	v5 =	vmul.f32 v5, v55  }
0xbe: {  	v23 =	vmul.f32 v23, v17;
	v15 =	vmul.f32 v28, v61;
	v14 =	vsub.f32 $1.500000000e+00, v14  }
0xbf: {  	v32 =	vsub.f32 $1.500000000e+00, v31;
	v63 =	vmul.f32 v24, v54;
	v5 =	vsel vm15, v20, v5  }
0xc0: {  	v15 =	vsub.f32 $1.500000000e+00, v15;
	v14 =	vmul.f32 v14, v21;
	v20 =	vsub.f32 $1.500000000e+00, v56;
	[tilespmem:$0x80] =	vst v5  }
0xc1: {  	v62 =	vsub.f32 $1.500000000e+00, v23;
	v23 =	vmul.f32 v63, v24;
	v5 =	vmul.f32 v18, v32;
	v33 =	vld.idx.msk [tilespmem:v29+s24+$0x0], $0xffff  }
0xc2: {  	v35 =	vshra.s32 v11, $0x1;
	v18 =	vmul.f32 v28, v15;
	v15 =	vmul.f32 v20, v19  }
0xc3: {  	v19 =	vsub.f32 $1.500000000e+00, v23;
	v23 =	vsub.s32 $0x5F3759DF, v35;
	v20 =	vmul.f32 v5, v12  }
0xc4: {  	v34 =	vmul.f32 v18, v59;
	v37 =	vmul.f32 v23, v36  }
0xc5: {  	p6 =	seq.s32 s1, $0x0;
	v19 =	vmul.f32 v19, v24;
	v20 =	vmul.f32 v20, v5  }
0xc6: {  	v22 =	vmul.f32 v34, v18;
	v27 =	vmul.f32 v23, v37;
	v26 =	vpsel p6, $0x3F800000, v33  }
0xc7: {  	v25 =	vmul.f32 v19, v54;
	v38 =	vshra.s32 v26, $0x1;
	v39 =	vmul.f32 $5.000000000e-01, v26  }
0xc8: {  	v22 =	vsub.f32 $1.500000000e+00, v22;
	v41 =	vsub.f32 $1.500000000e+00, v27;
	v28 =	vsub.s32 $0x5F3759DF, v38  }
0xc9: {  	v25 =	vmul.f32 v25, v19;
	v40 =	vmul.f32 v28, v39  }
0xca: {  	v20 =	vsub.f32 $1.500000000e+00, v20;
	v18 =	vmul.f32 v22, v18;
	v21 =	vmul.f32 v23, v41  }
0xcb: {  	v23 =	vmul.f32 v26, v13;
	v25 =	vsub.f32 $1.500000000e+00, v25;
	v22 =	vmul.f32 v28, v40  }
0xcc: {  	v5 =	vmul.f32 v20, v5  }
0xcd: {  	v27 =	vsub.f32 $1.000000000e+00, v23;
	v19 =	vmul.f32 v25, v19;
	v20 =	vsub.f32 $1.500000000e+00, v22  }
0xce: {  	v8 =	vmul.f32 v8, v0;
	v6 =	vmul.f32 v6, v2  }
0xcf: {  	v46 =	vmax.f32 v27, $1.000000000e-30;
	v13 =	vmul.f32 v19, v13;
	v19 =	vmul.f32 v28, v20  }
0xd0: {  	v42 =	vmul.f32 v18, v59;
	v47 =	vshra.s32 v46, $0x1;
	v25 =	vmul.f32 $5.000000000e-01, v46  }
0xd1: {  	v32 =	vmul.f32 $5.000000000e-01, v10;
	v30 =	vsub.s32 $0x5F3759DF, v47;
	v28 =	vmul.f32 v19, v39  }
0xd2: {  	v48 =	vshra.s32 v10, $0x1;
	v43 =	vmul.f32 v42, v18;
	v33 =	vmul.f32 v30, v25  }
0xd3: {  	v31 =	vsub.s32 $0x5F3759DF, v48;
	v44 =	vmul.f32 v21, v36;
	v28 =	vmul.f32 v28, v19  }
0xd4: {  	v49 =	vmul.f32 v31, v32;
	v20 =	vsub.f32 $1.500000000e+00, v43;
	v33 =	vmul.f32 v30, v33  }
0xd5: {  	v34 =	vmul.f32 v26, v16;
	v45 =	vmul.f32 v44, v21;
	v28 =	vsub.f32 $1.500000000e+00, v28  }
0xd6: {  	v50 =	vmul.f32 v31, v49;
	v18 =	vmul.f32 v20, v18;
	v51 =	vsub.f32 $1.500000000e+00, v33  }
0xd7: {  	v20 =	vsub.f32 $1.500000000e+00, v45;
	v19 =	vmul.f32 v28, v19;
	v28 =	vsub.f32 $1.000000000e+00, v34  }
0xd8: {  	v4 =	vmul.u32 $0x6, v4;
	v35 =	vmul.f32 v26, v11;
	v22 =	vmul.f32 v30, v51  }
0xd9: {  	v20 =	vmul.f32 v20, v21;
	v21 =	vsub.f32 $1.500000000e+00, v50;
	v53 =	vmax.f32 v28, $1.000000000e-30  }
0xda: {  	v55 =	vmul.f32 v22, v25;
	v54 =	vshra.s32 v53, $0x1;
	v29 =	vmul.f32 $5.000000000e-01, v53  }
0xdb: {  	v21 =	vmul.f32 v31, v21;
	v52 =	vmul.f32 v19, v39;
	v30 =	vsub.s32 $0x5F3759DF, v54  }
0xdc: {  	v31 =	vmul.f32 v55, v22;
	v56 =	vmul.f32 v30, v29  }
0xdd: {  	v17 =	vmul.f32 v62, v17;
	v48 =	vadd.s32 $0x3, v4;
	v37 =	vsub.f32 $1.000000000e+00, v35  }
0xde: {  	v24 =	vmul.f32 v52, v19;
	v31 =	vsub.f32 $1.500000000e+00, v31;
	v33 =	vmul.f32 v30, v56  }
0xdf: {  	v63 =	vadd.s32 $0x2, v4;
	v58 =	vmax.f32 v37, $1.000000000e-30;
	v16 =	vmul.f32 v18, v16  }
0xe0: {  	v24 =	vsub.f32 $1.500000000e+00, v24;
	v22 =	vmul.f32 v31, v22;
	v57 =	vsub.f32 $1.500000000e+00, v33  }
0xe1: {  	v59 =	vshra.s32 v58, $0x1;
	v31 =	vmul.f32 v26, v10;
	v33 =	vmul.f32 $5.000000000e-01, v58  }
0xe2: {  	s12 =	simm.s32 $0x200;
	v60 =	vsub.s32 $0x5F3759DF, v59;
	v19 =	vmul.f32 v24, v19;
	v24 =	vmul.f32 v30, v57  }
0xe3: {  	[tilespmem:v4+s12+$0x0] =	vst.idx.msk $0xffff, v0;
	v0 =	vadd.s32 $0x5, v4;
	v18 =	vmul.f32 v20, v36;
	v38 =	vmul.f32 v60, v33  }
0xe4: {  	v36 =	vmul.f32 v21, v32;
	v39 =	vsub.f32 $1.000000000e+00, v31;
	v61 =	vmul.f32 v24, v29  }
0xe5: {  	v42 =	vor.u32 $0x1, v4;
	v25 =	vmul.f32 v22, v25;
	v38 =	vmul.f32 v60, v38  }
0xe6: {  	v19 =	vmul.f32 v19, v26;
	v40 =	vmax.f32 v39, $1.000000000e-30;
	v26 =	vmul.f32 v61, v24  }
0xe7: {  	v41 =	vshra.s32 v40, $0x1;
	v40 =	vmul.f32 $5.000000000e-01, v40;
	v38 =	vsub.f32 $1.500000000e+00, v38  }
0xe8: {  	v25 =	vmul.f32 v25, v22;
	v41 =	vsub.s32 $0x5F3759DF, v41;
	v26 =	vsub.f32 $1.500000000e+00, v26  }
0xe9: {  	v44 =	vadd.s32 $0x4, v4;
	v62 =	vmul.f32 v41, v40;
	v30 =	vmul.f32 v60, v38  }
0xea: {  	v50 =	vadd.s32 $0x60, v4;
	v36 =	vmul.f32 v36, v21;
	v24 =	vmul.f32 v26, v24  }
0xeb: {  	v25 =	vsub.f32 $1.500000000e+00, v25;
	v38 =	vmul.f32 v41, v62;
	v43 =	vmul.f32 v30, v33  }
0xec: {  	v18 =	vmul.f32 v18, v20;
	v36 =	vsub.f32 $1.500000000e+00, v36;
	v29 =	vmul.f32 v24, v29  }
0xed: {  	v22 =	vmul.f32 v25, v22;
	v38 =	vsub.f32 $1.500000000e+00, v38;
	v43 =	vmul.f32 v43, v30  }
0xee: {  	[tilespmem:v42+s12+$0x0] =	vst.idx.msk $0xffff, v8;
	v52 =	vadd.s32 $0x61, v4;
	v13 =	vmul.f32 v19, v13;
	v49 =	vmul.f32 v29, v24  }
0xef: {  	[tilespmem:v63+s12+$0x0] =	vst.idx.msk $0xffff, v23;
	v8 =	vmul.f32 v22, v27;
	v51 =	vmul.f32 v41, v38;
	v53 =	vsub.f32 $1.500000000e+00, v43  }
0xf0: {  	v55 =	vadd.s32 $0x62, v4;
	[tilespmem:v48+s12+$0x0] =	vst.idx.msk $0xffff, v13;
	v13 =	vmul.f32 v36, v21;
	v54 =	vsub.f32 $1.500000000e+00, v49  }
0xf1: {  	[tilespmem:v44+s12+$0x0] =	vst.idx.msk $0xffff, v8;
	v8 =	vadd.s32 $0x63, v4;
	v57 =	vmul.f32 v51, v40;
	v56 =	vmul.f32 v53, v30  }
0xf2: {  	[tilespmem:v0+s12+$0x0] =	vst.idx.msk $0xffff, v17;
	v0 =	vsub.f32 $1.500000000e+00, v18;
	v18 =	vadd.s32 $0x64, v4;
	v17 =	vmul.f32 v54, v24  }
0xf3: {  	[tilespmem:v50+s12+$0x0] =	vst.idx.msk $0xffff, v1;
	v1 =	vadd.s32 $0x65, v4;
	v59 =	vmul.f32 v57, v51;
	v58 =	vmul.f32 v56, v33  }
0xf4: {  	[tilespmem:v52+s12+$0x0] =	vst.idx.msk $0xffff, v9;
	v9 =	vmul.f32 v19, v16;
	v16 =	vmul.f32 v17, v28;
	v17 =	vadd.s32 $0xC0, v4  }
0xf5: {  	v60 =	vadd.s32 $0xC1, v4;
	[tilespmem:v55+s12+$0x0] =	vst.idx.msk $0xffff, v34;
	v24 =	vsub.f32 $1.500000000e+00, v59;
	v21 =	vmul.f32 v58, v56  }
0xf6: {  	v0 =	vmul.f32 v0, v20;
	[tilespmem:v8+s12+$0x0] =	vst.idx.msk $0xffff, v9;
	v8 =	vmul.f32 v13, v32;
	v9 =	vadd.s32 $0xC2, v4  }
0xf7: {  	v20 =	vadd.s32 $0xC3, v4;
	[tilespmem:v18+s12+$0x0] =	vst.idx.msk $0xffff, v16;
	v16 =	vsub.f32 $1.500000000e+00, v21;
	v18 =	vmul.f32 v24, v51  }
0xf8: {  	v0 =	vmul.f32 v0, v11;
	v8 =	vmul.f32 v8, v13;
	[tilespmem:v1+s12+$0x0] =	vst.idx.msk $0xffff, v15;
	v1 =	vadd.s32 $0xC4, v4  }
0xf9: {  	v11 =	vmul.f32 v16, v56;
	v15 =	vmul.f32 v18, v40;
	[tilespmem:v17+s12+$0x0] =	vst.idx.msk $0xffff, v2;
	v2 =	vadd.s32 $0xC5, v4  }
0xfa: {  	v0 =	vmul.f32 v19, v0;
	v8 =	vsub.f32 $1.500000000e+00, v8;
	[tilespmem:v60+s12+$0x0] =	vst.idx.msk $0xffff, v6;
	v6 =	vadd.s32 $0x120, v4  }
0xfb: {  	v11 =	vmul.f32 v11, v37;
	[tilespmem:v9+s12+$0x0] =	vst.idx.msk $0xffff, v35;
	v9 =	vmul.f32 v15, v18;
	v15 =	vadd.s32 $0x121, v4  }
0xfc: {  	v12 =	vmul.f32 v5, v12;
	v8 =	vmul.f32 v8, v13;
	[tilespmem:v20+s12+$0x0] =	vst.idx.msk $0xffff, v0;
	v0 =	vadd.s32 $0x122, v4  }
0xfd: {  	v7 =	vmul.f32 v7, v3;
	[tilespmem:v1+s12+$0x0] =	vst.idx.msk $0xffff, v11;
	v1 =	vsub.f32 $1.500000000e+00, v9;
	v9 =	vadd.s32 $0x123, v4  }
0xfe: {  	v8 =	vmul.f32 v8, v10;
	v11 =	vmul.f32 v12, v5;
	[tilespmem:v2+s12+$0x0] =	vst.idx.msk $0xffff, v14;
	v2 =	vadd.s32 $0x124, v4  }
0xff: {  	v1 =	vmul.f32 v1, v18;
	[tilespmem:v6+s12+$0x0] =	vst.idx.msk $0xffff, v3;
	v3 =	vadd.s32 $0x125, v4  }
0x100: {  	v4 =	vsub.f32 $1.500000000e+00, v11;
	v6 =	vmul.f32 v19, v8;
	[tilespmem:v15+s12+$0x0] =	vst.idx.msk $0xffff, v7  }
0x101: {  	s13 =	smul.u32 $0x600, s1;
	v1 =	vmul.f32 v1, v39;
	[tilespmem:v0+s12+$0x0] =	vst.idx.msk $0xffff, v31  }
0x102: {  	v0 =	vmul.f32 v4, v5;
	[tilespmem:v9+s12+$0x0] =	vst.idx.msk $0xffff, v6  }
0x103: {  	s9 =	sshrl.u32 s13, $0x2;
	[tilespmem:v2+s12+$0x0] =	vst.idx.msk $0xffff, v1  }
0x104: {  	s9 =	sadd.s32 s9, s6;
	[tilespmem:v3+s12+$0x0] =	vst.idx.msk $0xffff, v0  }
0x105: {  	[spmem:s9] =	stream.linear.scatter [tilespmem:s12], [sflag:$0x3], $0x180, $0x38;
	[tilespmem:$0x4110] =	vst v63  }
0x106: {  	_ =	swait.ge [sflag:s30], $0x180  }
0x107: {  	[sflag:s30] =	ssyncset.done $0x0  }
0x108: {  	[sflag:s30] =	ssyncadd.s32 $0xFFFFFE80  }
0x109: {  	s7 =	simm.s32 $0x380;
	[bflag:$0x0] =	sbarrier.arrive $0xFFFF  }
0x10a: {  	[tilespmem:s7], [sflag:$0x3] =	stream.linear.gather [spmem:s6], $0x1800, $0x38;
	[tilespmem:$0x4110] =	vst v63  }
0x10b: {  	_ =	swait.ge [sflag:s30], $0x1800  }
0x10c: {  	[sflag:s30] =	ssyncset.done $0x0  }
0x10d: {  	s6 =	simm.s32 $0x1;
	[sflag:s30] =	ssyncadd.s32 $0xFFFFE800  }
0x10e: {  	s14 =	sand.u32 $0x40, s4;
	s15 =	sand.u32 $0x380, s4;
	_ =	swait.ge [sflag:s6], $0x400  }
0x10f: {  	s16 =	sor.u32 $0x30, s14;
	s9 =	sadd.s32 $0x1B80, s15;
	[sflag:s6] =	ssyncset.done $0x0  }
0x110: {  	s12 =	sor.u32 $0x10, s14;
	s11 =	sor.u32 s16, s9;
	[sflag:s6] =	ssyncadd.s32 $0xFFFFFC00  }
0x111: {  	s13 =	sor.u32 $0x20, s14;
	s17 =	sor.u32 s12, s9;
	v0 =	vld [tilespmem:s11+$0x0]  }
0x112: {  	s9 =	sor.u32 s13, s9;
	v1 =	vld [tilespmem:s17+$0x0]  }
0x113: {  	v2 =	vld [tilespmem:s9+$0x0];
	_ =	sdelay $0x1  }
0x114: {  	v3 =	vld [tilespmem:s23+$0x0]  }
0x115: {  	v4 =	vmul.u32 $0x6, v0  }
0x116: {  	v5 =	vmul.u32 $0x6, v1  }
0x117: {  	v6 =	vmul.u32 $0x6, v2;
	_ =	sdelay $0x1  }
0x118: {  	v0 =	vmul.u32 $0x6, v3;
	_ =	sdelay $0x1  }
0x119: {  	v1 =	vld.idx.msk [tilespmem:v4+s7+$0x0], $0xffff  }
0x11a: {  	v2 =	vor.u32 $0x1, v4;
	v3 =	vld.idx.msk [tilespmem:v5+s7+$0x0], $0xffff  }
0x11b: {  	s4 =	sand.u32 $0x1C00, s4;
	v7 =	vor.u32 $0x1, v5;
	v8 =	vld.idx.msk [tilespmem:v6+s7+$0x0], $0xffff  }
0x11c: {  	s18 =	sadd.s32 $0x1F80, s4;
	v10 =	vor.u32 $0x1, v6  }
0x11d: {  	s10 =	sor.u32 s16, s18;
	v9 =	vld.idx.msk [tilespmem:v0+s7+$0x0], $0xffff  }
0x11e: {  	s19 =	sor.u32 s12, s18;
	v11 =	vor.u32 $0x1, v0;
	[tilespmem:s10+$0x0] =	vst v1  }
0x11f: {  	s4 =	sor.u32 s13, s18;
	[tilespmem:s19+$0x0] =	vst v3;
	v1 =	vld.idx.msk [tilespmem:v2+s7+$0x0], $0xffff  }
0x120: {  	[tilespmem:s4+$0x0] =	vst v8;
	v3 =	vld.idx.msk [tilespmem:v7+s7+$0x0], $0xffff  }
0x121: {  	s20 =	simm.s32 $0x40;
	s16 =	sor.u32 s14, s18;
	v8 =	vld.idx.msk [tilespmem:v10+s7+$0x0], $0xffff  }
0x122: {  	s22 =	sand.u32 $0x40, s20;
	s8 =	sand.u32 $0x380, s20;
	[tilespmem:s16+$0x0] =	vst v9;
	v2 =	vadd.s32 $0x2, v4  }
0x123: {  	s21 =	simm.s32 $0x1BC0;
	s8 =	sadd.s32 $0x1B80, s8;
	s24 =	sor.u32 $0x30, s22;
	v7 =	vadd.s32 $0x2, v5;
	v9 =	vld.idx.msk [tilespmem:v11+s7+$0x0], $0xffff  }
0x124: {  	s28 =	sor.u32 $0x20, s22;
	s25 =	sor.u32 s24, s8;
	s14 =	sor.u32 $0x10, s22;
	v10 =	vadd.s32 $0x2, v6;
	[tilespmem:s10+$0x80] =	vst v1;
	v1 =	vld [tilespmem:s21+$0x0]  }
0x125: {  	s26 =	sor.u32 s14, s8;
	s8 =	sor.u32 s28, s8;
	[tilespmem:s19+$0x80] =	vst v3;
	v3 =	vld [tilespmem:s25+$0x0]  }
0x126: {  	[tilespmem:s4+$0x80] =	vst v8;
	v8 =	vld [tilespmem:s8+$0x0]  }
0x127: {  	v12 =	vadd.s32 $0x2, v0;
	v2 =	vld.idx.msk [tilespmem:v2+s7+$0x0], $0xffff  }
0x128: {  	v11 =	vadd.s32 $0x3, v4;
	v7 =	vld.idx.msk [tilespmem:v7+s7+$0x0], $0xffff  }
0x129: {  	v14 =	vadd.s32 $0x3, v5;
	v10 =	vld.idx.msk [tilespmem:v10+s7+$0x0], $0xffff  }
0x12a: {  	v13 =	vld [tilespmem:s26+$0x0];
	v15 =	vadd.s32 $0x3, v6;
	v1 =	vmul.u32 $0x6, v1  }
0x12b: {  	[tilespmem:s16+$0x80] =	vst v9;
	v19 =	vmul.u32 $0x6, v8  }
0x12c: {  	v9 =	vld.idx.msk [tilespmem:v12+s7+$0x0], $0xffff;
	[tilespmem:s10+$0x100] =	vst v2;
	v2 =	vmul.u32 $0x6, v3  }
0x12d: {  	[tilespmem:s19+$0x100] =	vst v7;
	v3 =	vld.idx.msk [tilespmem:v11+s7+$0x0], $0xffff  }
0x12e: {  	[tilespmem:s4+$0x100] =	vst v10;
	v10 =	vadd.s32 $0x3, v0;
	v12 =	vld.idx.msk [tilespmem:v14+s7+$0x0], $0xffff  }
0x12f: {  	v7 =	vmul.u32 $0x6, v13;
	v11 =	vadd.s32 $0x4, v4;
	v13 =	vld.idx.msk [tilespmem:v15+s7+$0x0], $0xffff  }
0x130: {  	v8 =	vld.idx.msk [tilespmem:v1+s7+$0x0], $0xffff  }
0x131: {  	[tilespmem:s16+$0x100] =	vst v9;
	v14 =	vadd.s32 $0x4, v5;
	v9 =	vld.idx.msk [tilespmem:v19+s7+$0x0], $0xffff  }
0x132: {  	v15 =	vld.idx.msk [tilespmem:v2+s7+$0x0], $0xffff;
	[tilespmem:s10+$0x180] =	vst v3;
	v3 =	vadd.s32 $0x4, v6;
	s10 =	simm.s32 $0x200  }
0x133: {  	p0 =	por $0x0, $0x0;
	s8 =	simm.s32 $0x1;
	v17 =	vor.u32 $0x1, v2;
	v20 =	vld.idx.msk [tilespmem:v10+s7+$0x0], $0xffff;
	s29 =	sand.u32 $0x1C00, s10  }
0x134: {  	s8 =	simm.s32 @!p0 $0x0;
	v10 =	vor.u32 $0x1, v19;
	[tilespmem:s19+$0x180] =	vst v12;
	v11 =	vld.idx.msk [tilespmem:v11+s7+$0x0], $0xffff;
	s17 =	sadd.s32 $0x1F80, s29  }
0x135: {  	s8 =	sshll.u32 s8, $0x6;
	v4 =	vadd.s32 $0x5, v4;
	v16 =	vld.idx.msk [tilespmem:v7+s7+$0x0], $0xffff;
	[tilespmem:s4+$0x180] =	vst v13;
	s12 =	sor.u32 s28, s17  }
0x136: {  	s18 =	sadd.s32 $0x0, s8;
	v18 =	vor.u32 $0x1, v7;
	v61 =	vld.idx.msk [tilespmem:v14+s7+$0x0], $0xffff;
	s13 =	sor.u32 s24, s17;
	[tilespmem:s12+$0x0] =	vst v9  }
0x137: {  	s23 =	sadd.s32 $0x30, s18;
	v13 =	vor.u32 $0x1, v1;
	s11 =	sor.u32 s22, s17;
	[tilespmem:s13+$0x0] =	vst v15;
	v12 =	vld.idx.msk [tilespmem:v3+s7+$0x0], $0xffff  }
0x138: {  	s15 =	simm.s32 $0x4;
	s9 =	sadd.s32 s2, s3;
	v62 =	vadd.s32 $0x4, v0;
	v63 =	vadd.s32 $0x5, v5;
	s30 =	sor.u32 $0x200, s23;
	v5 =	vadd.s32 $0x4, v7;
	[tilespmem:s11+$0x0] =	vst v8;
	v15 =	vld.idx.msk [tilespmem:v17+s7+$0x0], $0xffff  }
0x139: {  	s5 =	sadd.s32 $0x1000, s9;
	s3 =	sadd.s32 $0x2000, s9;
	s14 =	sor.u32 s14, s17;
	v9 =	vadd.s32 $0x3, v7;
	v8 =	vadd.s32 $0x3, v19;
	v3 =	vadd.s32 $0x5, v6;
	[tilespmem:s30+$0x1F80] =	vst v11;
	v17 =	vld.idx.msk [tilespmem:v10+s7+$0x0], $0xffff  }
0x13a: {  	s2 =	sadd.s32 $0x2800, s9;
	s8 =	sadd.s32 $0x800, s9;
	s31 =	sadd.s32 $0x10, s18;
	[tilespmem:s14+$0x0] =	vst v16;
	v6 =	vadd.s32 $0x5, v19;
	v11 =	vadd.s32 $0x2, v7;
	v10 =	vadd.s32 $0x2, v19;
	v14 =	vld.idx.msk [tilespmem:v4+s7+$0x0], $0xffff  }
0x13b: {  	s21 =	sor.u32 $0x200, s18;
	s20 =	sor.u32 $0x200, s31;
	s19 =	sadd.s32 $0x20, s18;
	v16 =	vld.idx.msk [tilespmem:v18+s7+$0x0], $0xffff;
	v4 =	vadd.s32 $0x5, v7;
	v7 =	vadd.s32 $0x4, v19;
	v19 =	vadd.s32 $0x2, v2  }
0x13c: {  	s4 =	sadd.s32 $0x1800, s9;
	s25 =	sor.u32 $0x200, s19;
	s22 =	sor.u32 $0x280, s31;
	[tilespmem:s16+$0x180] =	vst v20;
	v18 =	vld.idx.msk [tilespmem:v13+s7+$0x0], $0xffff  }
0x13d: {  	s24 =	sor.u32 $0x280, s23;
	s17 =	simm.s32 $0x200;
	s16 =	sor.u32 $0x280, s18;
	v13 =	vld.idx.msk [tilespmem:v62+s7+$0x0], $0xffff;
	[tilespmem:s20+$0x1F80] =	vst v61  }
0x13e: {  	s18 =	sor.u32 $0x280, s19;
	s19 =	simm.s32 $0x80;
	s20 =	simm.s32 $0x1C00;
	[tilespmem:s13+$0x80] =	vst v15;
	v15 =	vld.idx.msk [tilespmem:v63+s7+$0x0], $0xffff  }
.LBB2_1:
0x13f: {  	s23 =	sand.u32 $0x40, s19;
	v20 =	vld [tilespmem:s20+$0x0];
	s26 =	sand.u32 $0x380, s19;
	[tilespmem:s24+$0x1F80] =	vst v14  }
0x140: {  	s15 =	sadd.s32 $0x4, s15;
	s29 =	sadd.s32 $0x1B80, s26;
	s26 =	sor.u32 $0x30, s23;
	[tilespmem:s14+$0x80] =	vst v16;
	v14 =	vld.idx.msk [tilespmem:v19+s7+$0x0], $0xffff  }
0x141: {  	s24 =	sor.u32 $0x10, s23;
	p1 =	slt.u32 s15, $0x3C;
	v16 =	vadd.s32 $0x2, v1;
	s30 =	sor.u32 s26, s29;
	v11 =	vld.idx.msk [tilespmem:v11+s7+$0x0], $0xffff;
	[tilespmem:s12+$0x80] =	vst v17  }
0x142: {  	s28 =	sor.u32 $0x20, s23;
	s31 =	sor.u32 s24, s29;
	v17 =	vld [tilespmem:s30+$0x0];
	[tilespmem:s11+$0x80] =	vst v18;
	v18 =	vadd.s32 $0x3, v2  }
0x143: {  	s29 =	sor.u32 s28, s29;
	v19 =	vld [tilespmem:s31+$0x0];
	[tilespmem:s25+$0x1F80] =	vst v12  }
0x144: {  	v12 =	vld [tilespmem:s29+$0x0];
	[tilespmem:s21+$0x1F80] =	vst v13  }
0x145: {  	v13 =	vld.idx.msk [tilespmem:v10+s7+$0x0], $0xffff;
	v10 =	vadd.s32 $0x5, v0;
	[tilespmem:s22+$0x1F80] =	vst v15;
	v0 =	vmov v1;
	v1 =	vmul.u32 $0x6, v20  }
0x146: {  	v15 =	vld.idx.msk [tilespmem:v16+s7+$0x0], $0xffff;
	[tilespmem:s13+$0x100] =	vst v14  }
0x147: {  	v14 =	vmul.u32 $0x6, v17;
	[tilespmem:s14+$0x100] =	vst v11;
	v16 =	vld.idx.msk [tilespmem:v18+s7+$0x0], $0xffff  }
0x148: {  	v17 =	vmul.u32 $0x6, v19;
	v18 =	vld.idx.msk [tilespmem:v9+s7+$0x0], $0xffff  }
0x149: {  	v20 =	vadd.s32 $0x4, v2;
	v19 =	vadd.s32 $0x3, v0;
	v12 =	vmul.u32 $0x6, v12;
	v21 =	vld.idx.msk [tilespmem:v3+s7+$0x0], $0xffff;
	v3 =	vmovc v6  }
0x14a: {  	v22 =	vor.u32 $0x1, v17;
	v11 =	vadd.s32 $0x2, v17;
	v9 =	vadd.s32 $0x3, v17;
	v23 =	vld.idx.msk [tilespmem:v10+s7+$0x0], $0xffff  }
0x14b: {  	v24 =	vld.idx.msk [tilespmem:v1+s7+$0x0], $0xffff;
	v25 =	vor.u32 $0x1, v12;
	v10 =	vadd.s32 $0x2, v12;
	v6 =	vadd.s32 $0x3, v12;
	[tilespmem:s12+$0x100] =	vst v13  }
0x14c: {  	v26 =	vadd.s32 $0x5, v17;
	v13 =	vadd.s32 $0x4, v17;
	v27 =	vadd.s32 $0x4, v12;
	[tilespmem:s11+$0x100] =	vst v15;
	v15 =	vld.idx.msk [tilespmem:v8+s7+$0x0], $0xffff;
	v8 =	vmovc v6  }
0x14d: {  	v6 =	vadd.s32 $0x5, v12;
	v28 =	vld.idx.msk [tilespmem:v14+s7+$0x0], $0xffff;
	[tilespmem:s13+$0x180] =	vst v16  }
0x14e: {  	p0 =	por !p0, !p0;
	s13 =	simm.s32 $0x1;
	[tilespmem:s14+$0x180] =	vst v18;
	v16 =	vld.idx.msk [tilespmem:v20+s7+$0x0], $0xffff  }
0x14f: {  	s10 =	sadd.s32 $0x200, s10;
	v18 =	vor.u32 $0x1, v14;
	s13 =	simm.s32 @!p0 $0x0;
	v17 =	vld.idx.msk [tilespmem:v17+s7+$0x0], $0xffff;
	[tilespmem:s18+$0x1F80] =	vst v21  }
0x150: {  	s14 =	sand.u32 $0x1C00, s10;
	s13 =	sshll.u32 s13, $0x6;
	v21 =	vadd.s32 $0x5, v2;
	v2 =	vmov v14;
	v20 =	vld.idx.msk [tilespmem:v12+s7+$0x0], $0xffff;
	[tilespmem:s16+$0x1F80] =	vst v23  }
0x151: {  	s16 =	sadd.s32 $0x1F80, s14;
	s18 =	sadd.s32 s13, s17;
	s17 =	smov.u32 s10;
	v23 =	vld.idx.msk [tilespmem:v19+s7+$0x0], $0xffff  }
0x152: {  	s23 =	sor.u32 s23, s16;
	s13 =	sor.u32 s26, s16;
	s26 =	sadd.s32 $0x30, s18;
	v29 =	vld.idx.msk [tilespmem:v5+s7+$0x0], $0xffff;
	[tilespmem:s12+$0x180] =	vst v15;
	v5 =	vmov v13  }
0x153: {  	s14 =	sor.u32 s24, s16;
	v13 =	vor.u32 $0x1, v1;
	s12 =	sor.u32 s28, s16;
	s16 =	sor.u32 $0x200, s26;
	[tilespmem:s13+$0x0] =	vst v28;
	v12 =	vld.idx.msk [tilespmem:v7+s7+$0x0], $0xffff;
	v7 =	vmov v27  }
0x154: {  	s21 =	sor.u32 $0x200, s18;
	s22 =	sadd.s32 $0x10, s18;
	s24 =	sadd.s32 $0x20, s18;
	v27 =	vadd.s32 $0x4, v0;
	v15 =	vld.idx.msk [tilespmem:v18+s7+$0x0], $0xffff;
	[tilespmem:s16+$0x1F80] =	vst v16  }
0x155: {  	s28 =	sor.u32 $0x200, s22;
	s22 =	sor.u32 $0x280, s22;
	s25 =	sor.u32 $0x200, s24;
	[tilespmem:s14+$0x0] =	vst v17;
	v14 =	vld.idx.msk [tilespmem:v21+s7+$0x0], $0xffff  }
.Ltmp0:
0x156: {  	s16 =	sor.u32 $0x280, s18;
	s18 =	sor.u32 $0x280, s24;
	v16 =	vld.idx.msk [tilespmem:v22+s7+$0x0], $0xffff;
	[tilespmem:s12+$0x0] =	vst v20;
	(pc) =	sbr.rel @p1 .LBB2_1-.Ltmp0, $4  }
0x157: {  	v19 =	vadd.s32 $0x2, v2;
	[tilespmem:s23+$0x0] =	vst v24;
	v17 =	vld.idx.msk [tilespmem:v25+s7+$0x0], $0xffff  }
0x158: {  	v18 =	vld.idx.msk [tilespmem:v13+s7+$0x0], $0xffff;
	[tilespmem:s11+$0x180] =	vst v23;
	s11 =	smov.u32 s23  }
0x159: {  	v13 =	vld.idx.msk [tilespmem:v27+s7+$0x0], $0xffff;
	[tilespmem:s28+$0x1F80] =	vst v29  }
0x15a: {  	s19 =	sadd.s32 $0x40, s19;
	s20 =	sadd.s32 $0x40, s20;
	s24 =	sor.u32 $0x280, s26;
	[tilespmem:s13+$0x80] =	vst v15;
	v15 =	vld.idx.msk [tilespmem:v4+s7+$0x0], $0xffff;
	v4 =	vmov v26  }
0x15b: {  	_ =	sdelay $0x1  }
0x15c: {  	v20 =	vadd.s32 $0x2, v1;
	_ =	sdelay $0x1  }
0x15d: {  	[tilespmem:s14+$0x80] =	vst v16;
	v52 =	vld.idx.msk [tilespmem:v19+s7+$0x0], $0xffff  }
0x15e: {  	v53 =	vadd.s32 $0x3, v2;
	v11 =	vld.idx.msk [tilespmem:v11+s7+$0x0], $0xffff;
	[tilespmem:s12+$0x80] =	vst v17  }
0x15f: {  	[tilespmem:s11+$0x80] =	vst v18;
	v10 =	vld.idx.msk [tilespmem:v10+s7+$0x0], $0xffff  }
0x160: {  	v18 =	vld.idx.msk [tilespmem:v20+s7+$0x0], $0xffff  }
0x161: {  	v54 =	vadd.s32 $0x3, v1  }
0x162: {  	[tilespmem:s13+$0x100] =	vst v52  }
0x163: {  	[tilespmem:s14+$0x100] =	vst v11;
	v55 =	vld.idx.msk [tilespmem:v53+s7+$0x0], $0xffff  }
0x164: {  	v56 =	vadd.s32 $0x4, v2;
	v9 =	vld.idx.msk [tilespmem:v9+s7+$0x0], $0xffff;
	[tilespmem:s12+$0x100] =	vst v10  }
0x165: {  	v8 =	vld.idx.msk [tilespmem:v8+s7+$0x0], $0xffff;
	[tilespmem:s11+$0x100] =	vst v18  }
0x166: {  	[tilespmem:s24+$0x1F80] =	vst v14;
	v57 =	vld.idx.msk [tilespmem:v54+s7+$0x0], $0xffff  }
0x167: {  	[tilespmem:s25+$0x1F80] =	vst v12;
	v58 =	vadd.s32 $0x4, v1  }
0x168: {  	p0 =	por !p0, !p0;
	[tilespmem:s13+$0x180] =	vst v55  }
0x169: {  	v0 =	vadd.s32 $0x5, v0;
	s6 =	simm.s32 @!p0 $0x0;
	[tilespmem:s14+$0x180] =	vst v9;
	v59 =	vld.idx.msk [tilespmem:v56+s7+$0x0], $0xffff  }
0x16a: {  	v60 =	vadd.s32 $0x5, v2;
	s6 =	sshll.u32 s6, $0x6;
	v5 =	vld.idx.msk [tilespmem:v5+s7+$0x0], $0xffff;
	[tilespmem:s12+$0x180] =	vst v8  }
0x16b: {  	s6 =	sadd.s32 s6, s17;
	v7 =	vld.idx.msk [tilespmem:v7+s7+$0x0], $0xffff;
	[tilespmem:s11+$0x180] =	vst v57  }
0x16c: {  	[tilespmem:s21+$0x1F80] =	vst v13;
	s10 =	sadd.s32 $0x30, s6;
	v61 =	vld.idx.msk [tilespmem:v58+s7+$0x0], $0xffff  }
0x16d: {  	v62 =	vadd.s32 $0x5, v1;
	v3 =	vld.idx.msk [tilespmem:v3+s7+$0x0], $0xffff;
	[tilespmem:s22+$0x1F80] =	vst v15;
	s22 =	sadd.s32 $0x10, s6;
	s21 =	sor.u32 $0x200, s10  }
0x16e: {  	s23 =	sadd.s32 $0x20, s6;
	v0 =	vld.idx.msk [tilespmem:v0+s7+$0x0], $0xffff;
	s24 =	sor.u32 $0x200, s22;
	[tilespmem:s21+$0x1F80] =	vst v59  }
0x16f: {  	s25 =	sor.u32 $0x200, s23;
	v2 =	vld.idx.msk [tilespmem:v60+s7+$0x0], $0xffff;
	[tilespmem:s24+$0x1F80] =	vst v5  }
0x170: {  	s26 =	sor.u32 $0x200, s6;
	v4 =	vld.idx.msk [tilespmem:v4+s7+$0x0], $0xffff;
	[tilespmem:s25+$0x1F80] =	vst v7  }
0x171: {  	v63 =	vld.idx.msk [tilespmem:v6+s7+$0x0], $0xffff;
	[tilespmem:s26+$0x1F80] =	vst v61  }
0x172: {  	[tilespmem:s18+$0x1F80] =	vst v3;
	v1 =	vld.idx.msk [tilespmem:v62+s7+$0x0], $0xffff  }
0x173: {  	s28 =	sor.u32 $0x280, s10;
	[tilespmem:s16+$0x1F80] =	vst v0  }
0x174: {  	s29 =	sor.u32 $0x280, s22;
	[tilespmem:s28+$0x1F80] =	vst v2  }
0x175: {  	s30 =	sor.u32 $0x280, s23;
	[tilespmem:s29+$0x1F80] =	vst v4  }
0x176: {  	s6 =	sor.u32 $0x280, s6;
	[tilespmem:s30+$0x1F80] =	vst v63  }
0x177: {  	s31 =	simm.s32 $0x1F80;
	[tilespmem:s6+$0x1F80] =	vst v1;
	s6 =	simm.s32 $0x0  }
0x178: {  	[hbm4b:s9+s6] =	stream.linear.scatter [tilespmem:s31], [sflag:$0x2], $0x80, $0x38;
	[tilespmem:$0x4110] =	vst v63  }
0x179: {  	s10 =	sadd.s32 $0x10, s9;
	s11 =	simm.s32 $0x2380  }
0x17a: {  	[hbm4b:s10+s6] =	stream.linear.scatter [tilespmem:s11], [sflag:$0x2], $0x80, $0x38;
	[tilespmem:$0x4110] =	vst v63  }
0x17b: {  	s13 =	simm.s32 $0x2780;
	s12 =	sadd.s32 $0x20, s9  }
0x17c: {  	[hbm4b:s12+s6] =	stream.linear.scatter [tilespmem:s13], [sflag:$0x2], $0x80, $0x38;
	[tilespmem:$0x4110] =	vst v63  }
0x17d: {  	s15 =	simm.s32 $0x2B80;
	s14 =	sadd.s32 $0x30, s9  }
0x17e: {  	[hbm4b:s14+s6] =	stream.linear.scatter [tilespmem:s15], [sflag:$0x2], $0x80, $0x38;
	[tilespmem:$0x4110] =	vst v63  }
0x17f: {  	s17 =	simm.s32 $0x2F80;
	s16 =	sadd.s32 $0x40, s9  }
0x180: {  	[hbm4b:s16+s6] =	stream.linear.scatter [tilespmem:s17], [sflag:$0x2], $0x80, $0x38;
	[tilespmem:$0x4110] =	vst v63  }
0x181: {  	s19 =	simm.s32 $0x3380;
	s18 =	sadd.s32 $0x50, s9  }
0x182: {  	[hbm4b:s18+s6] =	stream.linear.scatter [tilespmem:s19], [sflag:$0x2], $0x80, $0x38;
	[tilespmem:$0x4110] =	vst v63  }
0x183: {  	s20 =	sadd.s32 $0x60, s9;
	s21 =	simm.s32 $0x3780  }
0x184: {  	[hbm4b:s20+s6] =	stream.linear.scatter [tilespmem:s21], [sflag:$0x2], $0x80, $0x38;
	[tilespmem:$0x4110] =	vst v63  }
0x185: {  	s22 =	sadd.s32 $0x70, s9;
	s23 =	simm.s32 $0x3B80  }
0x186: {  	[hbm4b:s22+s6] =	stream.linear.scatter [tilespmem:s23], [sflag:$0x2], $0x80, $0x38;
	[tilespmem:$0x4110] =	vst v63  }
0x187: {  	s24 =	simm.s32 $0x2000  }
0x188: {  	[hbm4b:s8+s6] =	stream.linear.scatter [tilespmem:s24], [sflag:$0x2], $0x80, $0x38;
	[tilespmem:$0x4110] =	vst v63  }
0x189: {  	s25 =	sadd.s32 $0x10, s8;
	s26 =	simm.s32 $0x2400  }
0x18a: {  	[hbm4b:s25+s6] =	stream.linear.scatter [tilespmem:s26], [sflag:$0x2], $0x80, $0x38;
	[tilespmem:$0x4110] =	vst v63  }
0x18b: {  	s28 =	sadd.s32 $0x20, s8;
	s29 =	simm.s32 $0x2800  }
0x18c: {  	[hbm4b:s28+s6] =	stream.linear.scatter [tilespmem:s29], [sflag:$0x2], $0x80, $0x38;
	[tilespmem:$0x4110] =	vst v63  }
0x18d: {  	s30 =	sadd.s32 $0x30, s8;
	s31 =	simm.s32 $0x2C00  }
0x18e: {  	[hbm4b:s30+s6] =	stream.linear.scatter [tilespmem:s31], [sflag:$0x2], $0x80, $0x38;
	[tilespmem:$0x4110] =	vst v63  }
0x18f: {  	s10 =	sadd.s32 $0x40, s8;
	s11 =	simm.s32 $0x3000  }
0x190: {  	[hbm4b:s10+s6] =	stream.linear.scatter [tilespmem:s11], [sflag:$0x2], $0x80, $0x38;
	[tilespmem:$0x4110] =	vst v63  }
0x191: {  	s12 =	sadd.s32 $0x50, s8;
	s13 =	simm.s32 $0x3400  }
0x192: {  	[hbm4b:s12+s6] =	stream.linear.scatter [tilespmem:s13], [sflag:$0x2], $0x80, $0x38;
	[tilespmem:$0x4110] =	vst v63  }
0x193: {  	s14 =	sadd.s32 $0x60, s8;
	s15 =	simm.s32 $0x3800  }
0x194: {  	[hbm4b:s14+s6] =	stream.linear.scatter [tilespmem:s15], [sflag:$0x2], $0x80, $0x38;
	[tilespmem:$0x4110] =	vst v63  }
0x195: {  	s16 =	sadd.s32 $0x70, s8;
	s17 =	simm.s32 $0x3C00  }
0x196: {  	[hbm4b:s16+s6] =	stream.linear.scatter [tilespmem:s17], [sflag:$0x2], $0x80, $0x38;
	[tilespmem:$0x4110] =	vst v63  }
0x197: {  	s18 =	simm.s32 $0x2080  }
0x198: {  	[hbm4b:s5+s6] =	stream.linear.scatter [tilespmem:s18], [sflag:$0x2], $0x80, $0x38;
	[tilespmem:$0x4110] =	vst v63  }
0x199: {  	s19 =	sadd.s32 $0x10, s5;
	s20 =	simm.s32 $0x2480  }
0x19a: {  	[hbm4b:s19+s6] =	stream.linear.scatter [tilespmem:s20], [sflag:$0x2], $0x80, $0x38;
	[tilespmem:$0x4110] =	vst v63  }
0x19b: {  	s21 =	sadd.s32 $0x20, s5;
	s22 =	simm.s32 $0x2880  }
0x19c: {  	[hbm4b:s21+s6] =	stream.linear.scatter [tilespmem:s22], [sflag:$0x2], $0x80, $0x38;
	[tilespmem:$0x4110] =	vst v63  }
0x19d: {  	s23 =	sadd.s32 $0x30, s5;
	s24 =	simm.s32 $0x2C80  }
0x19e: {  	[hbm4b:s23+s6] =	stream.linear.scatter [tilespmem:s24], [sflag:$0x2], $0x80, $0x38;
	[tilespmem:$0x4110] =	vst v63  }
0x19f: {  	s25 =	sadd.s32 $0x40, s5;
	s26 =	simm.s32 $0x3080  }
0x1a0: {  	[hbm4b:s25+s6] =	stream.linear.scatter [tilespmem:s26], [sflag:$0x2], $0x80, $0x38;
	[tilespmem:$0x4110] =	vst v63  }
0x1a1: {  	s28 =	sadd.s32 $0x50, s5;
	s29 =	simm.s32 $0x3480  }
0x1a2: {  	[hbm4b:s28+s6] =	stream.linear.scatter [tilespmem:s29], [sflag:$0x2], $0x80, $0x38;
	[tilespmem:$0x4110] =	vst v63  }
0x1a3: {  	s30 =	sadd.s32 $0x60, s5;
	s31 =	simm.s32 $0x3880  }
0x1a4: {  	[hbm4b:s30+s6] =	stream.linear.scatter [tilespmem:s31], [sflag:$0x2], $0x80, $0x38;
	[tilespmem:$0x4110] =	vst v63  }
0x1a5: {  	s7 =	sadd.s32 $0x70, s5;
	s8 =	simm.s32 $0x3C80  }
0x1a6: {  	[hbm4b:s7+s6] =	stream.linear.scatter [tilespmem:s8], [sflag:$0x2], $0x80, $0x38;
	[tilespmem:$0x4110] =	vst v63  }
0x1a7: {  	s9 =	simm.s32 $0x2100  }
0x1a8: {  	[hbm4b:s4+s6] =	stream.linear.scatter [tilespmem:s9], [sflag:$0x2], $0x80, $0x38;
	[tilespmem:$0x4110] =	vst v63  }
0x1a9: {  	s10 =	sadd.s32 $0x10, s4;
	s11 =	simm.s32 $0x2500  }
0x1aa: {  	[hbm4b:s10+s6] =	stream.linear.scatter [tilespmem:s11], [sflag:$0x2], $0x80, $0x38;
	[tilespmem:$0x4110] =	vst v63  }
0x1ab: {  	s12 =	sadd.s32 $0x20, s4;
	s13 =	simm.s32 $0x2900  }
0x1ac: {  	[hbm4b:s12+s6] =	stream.linear.scatter [tilespmem:s13], [sflag:$0x2], $0x80, $0x38;
	[tilespmem:$0x4110] =	vst v63  }
0x1ad: {  	s14 =	sadd.s32 $0x30, s4;
	s15 =	simm.s32 $0x2D00  }
0x1ae: {  	[hbm4b:s14+s6] =	stream.linear.scatter [tilespmem:s15], [sflag:$0x2], $0x80, $0x38;
	[tilespmem:$0x4110] =	vst v63  }
0x1af: {  	s16 =	sadd.s32 $0x40, s4;
	s17 =	simm.s32 $0x3100  }
0x1b0: {  	[hbm4b:s16+s6] =	stream.linear.scatter [tilespmem:s17], [sflag:$0x2], $0x80, $0x38;
	[tilespmem:$0x4110] =	vst v63  }
0x1b1: {  	s18 =	sadd.s32 $0x50, s4;
	s19 =	simm.s32 $0x3500  }
0x1b2: {  	[hbm4b:s18+s6] =	stream.linear.scatter [tilespmem:s19], [sflag:$0x2], $0x80, $0x38;
	[tilespmem:$0x4110] =	vst v63  }
0x1b3: {  	s20 =	sadd.s32 $0x60, s4;
	s21 =	simm.s32 $0x3900  }
0x1b4: {  	[hbm4b:s20+s6] =	stream.linear.scatter [tilespmem:s21], [sflag:$0x2], $0x80, $0x38;
	[tilespmem:$0x4110] =	vst v63  }
0x1b5: {  	s22 =	sadd.s32 $0x70, s4;
	s23 =	simm.s32 $0x3D00  }
0x1b6: {  	[hbm4b:s22+s6] =	stream.linear.scatter [tilespmem:s23], [sflag:$0x2], $0x80, $0x38;
	[tilespmem:$0x4110] =	vst v63  }
0x1b7: {  	s24 =	simm.s32 $0x2180  }
0x1b8: {  	[hbm4b:s3+s6] =	stream.linear.scatter [tilespmem:s24], [sflag:$0x2], $0x80, $0x38;
	[tilespmem:$0x4110] =	vst v63  }
0x1b9: {  	s25 =	sadd.s32 $0x10, s3;
	s26 =	simm.s32 $0x2580  }
0x1ba: {  	[hbm4b:s25+s6] =	stream.linear.scatter [tilespmem:s26], [sflag:$0x2], $0x80, $0x38;
	[tilespmem:$0x4110] =	vst v63  }
0x1bb: {  	s28 =	sadd.s32 $0x20, s3;
	s29 =	simm.s32 $0x2980  }
0x1bc: {  	[hbm4b:s28+s6] =	stream.linear.scatter [tilespmem:s29], [sflag:$0x2], $0x80, $0x38;
	[tilespmem:$0x4110] =	vst v63  }
0x1bd: {  	s30 =	sadd.s32 $0x30, s3;
	s31 =	simm.s32 $0x2D80  }
0x1be: {  	[hbm4b:s30+s6] =	stream.linear.scatter [tilespmem:s31], [sflag:$0x2], $0x80, $0x38;
	[tilespmem:$0x4110] =	vst v63  }
0x1bf: {  	s7 =	sadd.s32 $0x40, s3;
	s8 =	simm.s32 $0x3180  }
0x1c0: {  	[hbm4b:s7+s6] =	stream.linear.scatter [tilespmem:s8], [sflag:$0x2], $0x80, $0x38;
	[tilespmem:$0x4110] =	vst v63  }
0x1c1: {  	s9 =	sadd.s32 $0x50, s3;
	s10 =	simm.s32 $0x3580  }
0x1c2: {  	[hbm4b:s9+s6] =	stream.linear.scatter [tilespmem:s10], [sflag:$0x2], $0x80, $0x38;
	[tilespmem:$0x4110] =	vst v63  }
0x1c3: {  	s11 =	sadd.s32 $0x60, s3;
	s12 =	simm.s32 $0x3980  }
0x1c4: {  	[hbm4b:s11+s6] =	stream.linear.scatter [tilespmem:s12], [sflag:$0x2], $0x80, $0x38;
	[tilespmem:$0x4110] =	vst v63  }
0x1c5: {  	s13 =	sadd.s32 $0x70, s3;
	s14 =	simm.s32 $0x3D80  }
0x1c6: {  	[hbm4b:s13+s6] =	stream.linear.scatter [tilespmem:s14], [sflag:$0x2], $0x80, $0x38;
	[tilespmem:$0x4110] =	vst v63  }
0x1c7: {  	s15 =	simm.s32 $0x2200  }
0x1c8: {  	[hbm4b:s2+s6] =	stream.linear.scatter [tilespmem:s15], [sflag:$0x2], $0x80, $0x38;
	[tilespmem:$0x4110] =	vst v63  }
0x1c9: {  	s16 =	sadd.s32 $0x10, s2;
	s17 =	simm.s32 $0x2600  }
0x1ca: {  	[hbm4b:s16+s6] =	stream.linear.scatter [tilespmem:s17], [sflag:$0x2], $0x80, $0x38;
	[tilespmem:$0x4110] =	vst v63  }
0x1cb: {  	s18 =	sadd.s32 $0x20, s2;
	s19 =	simm.s32 $0x2A00  }
0x1cc: {  	[hbm4b:s18+s6] =	stream.linear.scatter [tilespmem:s19], [sflag:$0x2], $0x80, $0x38;
	[tilespmem:$0x4110] =	vst v63  }
0x1cd: {  	s20 =	sadd.s32 $0x30, s2;
	s21 =	simm.s32 $0x2E00  }
0x1ce: {  	[hbm4b:s20+s6] =	stream.linear.scatter [tilespmem:s21], [sflag:$0x2], $0x80, $0x38;
	[tilespmem:$0x4110] =	vst v63  }
0x1cf: {  	s22 =	sadd.s32 $0x40, s2;
	s23 =	simm.s32 $0x3200  }
0x1d0: {  	[hbm4b:s22+s6] =	stream.linear.scatter [tilespmem:s23], [sflag:$0x2], $0x80, $0x38;
	[tilespmem:$0x4110] =	vst v63  }
0x1d1: {  	s24 =	sadd.s32 $0x50, s2;
	s25 =	simm.s32 $0x3600  }
0x1d2: {  	[hbm4b:s24+s6] =	stream.linear.scatter [tilespmem:s25], [sflag:$0x2], $0x80, $0x38;
	[tilespmem:$0x4110] =	vst v63  }
0x1d3: {  	s26 =	sadd.s32 $0x60, s2;
	s28 =	simm.s32 $0x3A00  }
0x1d4: {  	[hbm4b:s26+s6] =	stream.linear.scatter [tilespmem:s28], [sflag:$0x2], $0x80, $0x38;
	[tilespmem:$0x4110] =	vst v63  }
0x1d5: {  	s29 =	sadd.s32 $0x70, s2;
	s30 =	simm.s32 $0x3E00;
	s31 =	simm.s32 $0x2  }
0x1d6: {  	[hbm4b:s29+s6] =	stream.linear.scatter [tilespmem:s30], [sflag:$0x2], $0x80, $0x38;
	[tilespmem:$0x4110] =	vst v63  }
0x1d7: {  	_ =	swait.ge [sflag:s31], $0x400  }
0x1d8: {  	[sflag:s31] =	ssyncset.done $0x0  }
0x1d9: {  	[sflag:s31] =	ssyncadd.s32 $0xFFFFFC00  }
0x1da: {  	_ =	swait.ge [sflag:s31], $0x400  }
0x1db: {  	[sflag:s31] =	ssyncset.done $0x0  }
0x1dc: {  	[sflag:s31] =	ssyncadd.s32 $0xFFFFFC00  }
0x1dd: {  	_ =	swait.ge [sflag:s31], $0x400  }
0x1de: {  	[sflag:s31] =	ssyncset.done $0x0  }
0x1df: {  	[sflag:s31] =	ssyncadd.s32 $0xFFFFFC00  }
0x1e0: {  	_ =	swait.ge [sflag:s31], $0x400  }
0x1e1: {  	[sflag:s31] =	ssyncset.done $0x0  }
0x1e2: {  	[sflag:s31] =	ssyncadd.s32 $0xFFFFFC00  }
0x1e3: {  	_ =	swait.ge [sflag:s31], $0x400  }
0x1e4: {  	[sflag:s31] =	ssyncset.done $0x0  }
0x1e5: {  	[sflag:s31] =	ssyncadd.s32 $0xFFFFFC00  }
0x1e6: {  	_ =	swait.ge [sflag:s31], $0x400  }
0x1e7: {  	[sflag:s31] =	ssyncset.done $0x0  }
0x1e8: {  	[sflag:s31] =	ssyncadd.s32 $0xFFFFFC00  }
0x1e9: {  	_ =	sfence.sel $0x180000  }
0x1ea: {  	[bflag:$0x0] =	sbarrier.arrive $0xFFFF  }
0x1eb: {  	p0 =	sne.s32 s1, $0x0;
	_ =	strace $0x90000047  }
0x1ec: {  	s0 =	sadd.s32 @!p0 $0x100000, s0;
	[bflag:$0x2] =	sbarrier.arrive $0xFFFF  }
0x1ed: {  	[sflag:s0] =	ssyncadd.tile.s32 @!p0 $0x1;
	_ =	shalt  }
.Lfunc_end2:
_tile_overlayer_lowered:
.L_overlay_start_2:
0x1ee: {  	(tag) =	ssettag $0x2  }
0x1ef: {  	s0 =	rddreg [dreg:$0x0];
	s2 =	stileid.u32  }
0x1f0: {  	s1 =	rddreg [dreg:$0x1];
	p0 =	sne.s32 s2, $0x0  }
0x1f1: {  	s3 =	rddreg [dreg:$0x2];
	[bflag:$0x3] =	sbarrier.arrive $0xFFFF;
	s2 =	simm.s32 @!p0 $0x1C03  }
0x1f2: {  	[timem:s3], [sflag:s2] =	dma.local @!p0 [hbm:s0], s1  }
0x1f3: {  	s0 =	simm.s32 @!p0 $0x3  }
0x1f4: {  	_ =	swait.ge @!p0 [sflag:s0], s1  }
0x1f5: {  	s1 =	ssub.s32 @!p0 $0x0, s1;
	[sflag:s0] =	ssyncset.done @!p0 $0x0  }
0x1f6: {  	[sflag:s0] =	ssyncadd.s32 @!p0 s1  }
0x1f7: {  	[bflag:$0x3] =	sbarrier.arrive $0xFFFF  }
0x1f8: {  	_ =	shalt  }

</sc_bundles>
